<compile_context>
chip_gen: v7x
topology: tpu7x:2x2x1
jax: 0.10.2.dev20260603
libtpu: 0.0.44.dev20260713+nightly
codegen_flags: <defaults>
</compile_context>

<pallas_src>
import functools

import jax
import jax.numpy as jnp
from jax import lax
from jax.experimental import pallas as pl
from jax.experimental.pallas import tpu as pltpu
from jax.experimental.pallas import tpu_sc as plsc

N_TYPES = 3
EMB_D = 64
LANES = 16


@functools.lru_cache(maxsize=None)
def _make_lookup(nb: int, s: int):
    info = plsc.get_sparse_core_info()
    nw = info.num_cores * info.num_subcores
    b_per_w = nb // nw
    ngrp = b_per_w // LANES
    assert nb % (nw * LANES) == 0 and s % 2 == 0

    mesh = plsc.VectorSubcoreMesh(core_axis_name="c", subcore_axis_name="s")

    @functools.partial(
        pl.kernel,
        mesh=mesh,
        compiler_params=pltpu.CompilerParams(use_tc_tiling_on_sc=False),
        out_type=jax.ShapeDtypeStruct(
            (s, EMB_D // 8, nb // 128, 8, 128), jnp.float32),
        scratch_types=[
            pltpu.VMEM((N_TYPES, EMB_D, LANES), jnp.float32),
            pltpu.VMEM((b_per_w,), jnp.int32),
            pltpu.VMEM((b_per_w,), jnp.int32),
            pltpu.VMEM((EMB_D // 8, b_per_w // 128, 8, 128), jnp.float32),
            pltpu.VMEM((EMB_D // 8, b_per_w // 128, 8, 128), jnp.float32),
            pltpu.SemaphoreType.DMA,
            pltpu.SemaphoreType.DMA,
            pltpu.SemaphoreType.DMA,
            pltpu.SemaphoreType.DMA,
        ],
    )
    def lookup(wsplat_hbm, idxt_hbm, out_hbm, wsplat_v, idxA, idxB,
               rowsA, rowsB, isemA, isemB, osemA, osemB):
        wid = lax.axis_index("s") * info.num_cores + lax.axis_index("c")
        bbase = wid * b_per_w
        tcbase = wid * (b_per_w // 128)

        pltpu.sync_copy(wsplat_hbm, wsplat_v)

        def fetch_idx(p, idx_v, isem):
            pltpu.async_copy(idxt_hbm.at[p, pl.ds(bbase, b_per_w)], idx_v, isem)

        def wait_idx(p, idx_v, isem):
            pltpu.make_async_copy(
                idxt_hbm.at[p, pl.ds(bbase, b_per_w)], idx_v, isem).wait()

        def out_slice(p):
            return out_hbm.at[p, pl.ds(0, EMB_D // 8),
                              pl.ds(tcbase, b_per_w // 128)]

        def put(p, rows, osem):
            pltpu.async_copy(rows, out_slice(p), osem)

        def wait_put(p, rows, osem):
            pltpu.make_async_copy(rows, out_slice(p), osem).wait()

        def fill(idx_v, rows):
            for gb in range(ngrp // 8):
                ms = []
                for i in range(8):
                    v = idx_v[pl.ds(LANES * (8 * gb + i), LANES)]
                    ms.append((v == 0, v == 1))

                def dbody(d, carry, gb=gb, ms=ms):
                    w0 = wsplat_v[0, d]
                    w1 = wsplat_v[1, d]
                    w2 = wsplat_v[2, d]
                    tr = lax.shift_right_logical(d, 3)
                    dm = d & 7
                    for i in range(8):
                        g = 8 * gb + i
                        m0, m1 = ms[i]
                        rows[tr, g // 8, dm, pl.ds(LANES * (g % 8), LANES)] = \
                            jnp.where(m0, w0, jnp.where(m1, w1, w2))
                    return carry

                lax.fori_loop(0, EMB_D, dbody, 0)

        fetch_idx(0, idxA, isemA)
        fetch_idx(1, idxB, isemB)

        def body(j, carry):
            p0 = 2 * j
            wait_idx(p0, idxA, isemA)

            @pl.when(p0 >= 2)
            def _():
                wait_put(p0 - 2, rowsA, osemA)

            fill(idxA, rowsA)
            put(p0, rowsA, osemA)

            @pl.when(p0 + 2 < s)
            def _():
                fetch_idx(p0 + 2, idxA, isemA)

            wait_idx(p0 + 1, idxB, isemB)

            @pl.when(p0 >= 2)
            def _():
                wait_put(p0 - 1, rowsB, osemB)

            fill(idxB, rowsB)
            put(p0 + 1, rowsB, osemB)

            @pl.when(p0 + 3 < s)
            def _():
                fetch_idx(p0 + 3, idxB, isemB)

            return carry

        lax.fori_loop(0, s // 2, body, 0)
        wait_put(s - 2, rowsA, osemA)
        wait_put(s - 1, rowsB, osemB)

    return lookup


def kernel(type_indices, embedding_weight):
    b, s = type_indices.shape
    idxt = type_indices.T.astype(jnp.int32)
    wsplat = jnp.broadcast_to(
        embedding_weight[:, :, None], (N_TYPES, EMB_D, LANES))
    out5 = _make_lookup(b, s)(wsplat, idxt)
    out_t = jnp.transpose(out5, (0, 1, 3, 2, 4)).reshape(s, EMB_D, b)
    return jnp.transpose(out_t, (2, 0, 1))

# --- scband reference (transcript-rebuilt; emitter-appended) ---
"""Pipeline reference for scband-timtype-embedding-19473381720148 (READ-ONLY COPY).

The authoritative reference and input builder live on the scoring server;
editing this copy changes nothing except your own understanding.
"""

import jax, jax.numpy as jnp
import numpy as np

N_TYPES = 3
EMBED_DIM = 64

def setup_inputs(seed: int = 0) -> dict:
    key = jax.random.key(seed)
    k1, k2 = jax.random.split(key)
    type_indices = jax.random.randint(k1, (16384, 200), 0, N_TYPES, dtype=jnp.int64)
    # nn.init.normal_(weight, mean=0, std=0.1)
    embedding_weight = jax.random.normal(k2, (N_TYPES, EMBED_DIM), dtype=jnp.float32) * 0.1
    return {"type_indices": type_indices, "embedding_weight": embedding_weight}

def reference(type_indices, embedding_weight):
    # nn.Embedding lookup: gather rows of the table by index
    return jnp.take(embedding_weight, type_indices, axis=0)

if __name__ == "__main__":
    import jax
    _d = setup_inputs()
    print(jax.jit(kernel)(*tuple(_d.values())))

</pallas_src>

<mosaic_0001>
#map = affine_map<(d0, d1) -> (0, 0, 0)>
#map1 = affine_map<(d0, d1) -> (0, 0)>
#map2 = affine_map<(d0, d1) -> (0, 0, 0, 0, 0)>
module attributes {stable_mosaic.version = 14 : i64} {
  func.func @lookup(%arg0: i32, %arg1: i32, %arg2: memref<3x64x16xf32, #tpu.memory_space<hbm>>, %arg3: memref<200x16384xi32, #tpu.memory_space<hbm>>, %arg4: memref<200x8x128x8x128xf32, #tpu.memory_space<hbm>>, %arg5: memref<3x64x16xf32, #tpu.memory_space<vmem>>, %arg6: memref<512xi32, #tpu.memory_space<vmem>>, %arg7: memref<512xi32, #tpu.memory_space<vmem>>, %arg8: memref<8x4x8x128xf32, #tpu.memory_space<vmem>>, %arg9: memref<8x4x8x128xf32, #tpu.memory_space<vmem>>, %arg10: memref<!tpu.dma_semaphore, #tpu.memory_space<semaphore_mem>>, %arg11: memref<!tpu.dma_semaphore, #tpu.memory_space<semaphore_mem>>, %arg12: memref<!tpu.dma_semaphore, #tpu.memory_space<semaphore_mem>>, %arg13: memref<!tpu.dma_semaphore, #tpu.memory_space<semaphore_mem>>) attributes {dimension_semantics = [#tpu.dimension_semantics<core_parallel>, #tpu.dimension_semantics<subcore_parallel>], iteration_bounds = array<i64: 2, 16>, scalar_prefetch = 0 : i64, scratch_operands = 9 : i64, tpu.core_type = #tpu.core_type<sc_vector_subcore>, window_params = [{transform_indices = #map}, {transform_indices = #map1}, {transform_indices = #map2}]} {
    %mul3A = arith.constant 2 : i32
    %mul3A_0 = arith.muli %arg1, %mul3A : i32
    %add3A = arith.addi %mul3A_0, %arg0 : i32
    %mul3A_1 = arith.constant 512 : i32
    %mul3A_2 = arith.muli %add3A, %mul3A_1 : i32
    %mul3A_3 = arith.constant 4 : i32
    %mul3A_4 = arith.muli %add3A, %mul3A_3 : i32
    "tpu.region"() ({
      %run_scoped3A = tpu.sem_alloc : memref<!tpu.dma_semaphore, #tpu.memory_space<semaphore_mem>>
      tpu.enqueue_dma source(%arg2 : memref<3x64x16xf32, #tpu.memory_space<hbm>>) target(%arg5 : memref<3x64x16xf32, #tpu.memory_space<vmem>>) target_semaphore(%run_scoped3A : memref<!tpu.dma_semaphore, #tpu.memory_space<semaphore_mem>>)
      tpu.wait_dma2 semaphore(%run_scoped3A : memref<!tpu.dma_semaphore, #tpu.memory_space<semaphore_mem>>) src(%arg2 : memref<3x64x16xf32, #tpu.memory_space<hbm>>) dst(%arg5 : memref<3x64x16xf32, #tpu.memory_space<vmem>>)
      tpu.yield
    }) : () -> ()
    %dma_start3A = arith.constant 0 : i32
    %dma_start3A_5 = tpu.memref_slice %arg3[%dma_start3A, %mul3A_2] : memref<200x16384xi32, #tpu.memory_space<hbm>> -> memref<1x512xi32, #tpu.memory_space<hbm>>
    %dma_start3A_6 = tpu.memref_squeeze %dma_start3A_5 : memref<1x512xi32, #tpu.memory_space<hbm>> -> memref<512xi32, #tpu.memory_space<hbm>>
    %dma_start3A_7 = tpu.memref_slice %arg3[%dma_start3A, %mul3A_2] : memref<200x16384xi32, #tpu.memory_space<hbm>> -> memref<1x512xi32, #tpu.memory_space<hbm>>
    %dma_start3A_8 = tpu.memref_squeeze %dma_start3A_7 : memref<1x512xi32, #tpu.memory_space<hbm>> -> memref<512xi32, #tpu.memory_space<hbm>>
    tpu.enqueue_dma source(%dma_start3A_8 : memref<512xi32, #tpu.memory_space<hbm>>) target(%arg6 : memref<512xi32, #tpu.memory_space<vmem>>) target_semaphore(%arg10 : memref<!tpu.dma_semaphore, #tpu.memory_space<semaphore_mem>>)
    %dma_start3A_9 = arith.constant 1 : i32
    %dma_start3A_10 = tpu.memref_slice %arg3[%dma_start3A_9, %mul3A_2] : memref<200x16384xi32, #tpu.memory_space<hbm>> -> memref<1x512xi32, #tpu.memory_space<hbm>>
    %dma_start3A_11 = tpu.memref_squeeze %dma_start3A_10 : memref<1x512xi32, #tpu.memory_space<hbm>> -> memref<512xi32, #tpu.memory_space<hbm>>
    %dma_start3A_12 = tpu.memref_slice %arg3[%dma_start3A_9, %mul3A_2] : memref<200x16384xi32, #tpu.memory_space<hbm>> -> memref<1x512xi32, #tpu.memory_space<hbm>>
    %dma_start3A_13 = tpu.memref_squeeze %dma_start3A_12 : memref<1x512xi32, #tpu.memory_space<hbm>> -> memref<512xi32, #tpu.memory_space<hbm>>
    tpu.enqueue_dma source(%dma_start3A_13 : memref<512xi32, #tpu.memory_space<hbm>>) target(%arg7 : memref<512xi32, #tpu.memory_space<vmem>>) target_semaphore(%arg11 : memref<!tpu.dma_semaphore, #tpu.memory_space<semaphore_mem>>)
    %scan3A = arith.constant 0 : i32
    %scan3A_14 = arith.constant 0 : i32
    %scan3A_15 = arith.constant 100 : i32
    %scan3A_16 = arith.addi %scan3A_14, %scan3A_15 : i32
    %scan3A_17 = arith.constant 1 : i32
    scf.for %scan3A_40 = %scan3A_14 to %scan3A_16 step %scan3A_17  : i32 {
      %mul3A_41 = arith.constant 2 : i32
      %mul3A_42 = arith.muli %mul3A_41, %scan3A_40 : i32
      %dma_wait3A_43 = tpu.memref_slice %arg3[%mul3A_42, %mul3A_2] : memref<200x16384xi32, #tpu.memory_space<hbm>> -> memref<1x512xi32, #tpu.memory_space<hbm>>
      %dma_wait3A_44 = tpu.memref_squeeze %dma_wait3A_43 : memref<1x512xi32, #tpu.memory_space<hbm>> -> memref<512xi32, #tpu.memory_space<hbm>>
      %dma_wait3A_45 = tpu.memref_slice %arg3[%mul3A_42, %mul3A_2] : memref<200x16384xi32, #tpu.memory_space<hbm>> -> memref<1x512xi32, #tpu.memory_space<hbm>>
      %dma_wait3A_46 = tpu.memref_squeeze %dma_wait3A_45 : memref<1x512xi32, #tpu.memory_space<hbm>> -> memref<512xi32, #tpu.memory_space<hbm>>
      tpu.wait_dma2 semaphore(%arg10 : memref<!tpu.dma_semaphore, #tpu.memory_space<semaphore_mem>>) src(%dma_wait3A_46 : memref<512xi32, #tpu.memory_space<hbm>>) dst(%arg6 : memref<512xi32, #tpu.memory_space<vmem>>)
      %ge3A = arith.constant 2 : i32
      %ge3A_47 = arith.cmpi sge, %mul3A_42, %ge3A : i32
      %convert_element_type3A = arith.extui %ge3A_47 : i1 to i32
      %cond3A = arith.constant 0 : i32
      %cond3A_48 = arith.cmpi ne, %convert_element_type3A, %cond3A : i32
      scf.if %cond3A_48 {
        %sub3A = arith.constant 2 : i32
        %sub3A_717 = arith.subi %mul3A_42, %sub3A : i32
        %dma_wait3A_718 = arith.constant 0 : i32
        %dma_wait3A_719 = arith.constant 0 : i32
        %dma_wait3A_720 = arith.constant 0 : i32
        %dma_wait3A_721 = tpu.memref_slice %arg4[%sub3A_717, %dma_wait3A_718, %mul3A_4, %dma_wait3A_719, %dma_wait3A_720] : memref<200x8x128x8x128xf32, #tpu.memory_space<hbm>> -> memref<1x8x4x8x128xf32, #tpu.memory_space<hbm>>
        %dma_wait3A_722 = tpu.memref_squeeze %dma_wait3A_721 : memref<1x8x4x8x128xf32, #tpu.memory_space<hbm>> -> memref<8x4x8x128xf32, #tpu.memory_space<hbm>>
        %dma_wait3A_723 = arith.constant 0 : i32
        %dma_wait3A_724 = arith.constant 0 : i32
        %dma_wait3A_725 = arith.constant 0 : i32
        %dma_wait3A_726 = tpu.memref_slice %arg4[%sub3A_717, %dma_wait3A_723, %mul3A_4, %dma_wait3A_724, %dma_wait3A_725] : memref<200x8x128x8x128xf32, #tpu.memory_space<hbm>> -> memref<1x8x4x8x128xf32, #tpu.memory_space<hbm>>
        %dma_wait3A_727 = tpu.memref_squeeze %dma_wait3A_726 : memref<1x8x4x8x128xf32, #tpu.memory_space<hbm>> -> memref<8x4x8x128xf32, #tpu.memory_space<hbm>>
        tpu.wait_dma2 semaphore(%arg12 : memref<!tpu.dma_semaphore, #tpu.memory_space<semaphore_mem>>) src(%arg8 : memref<8x4x8x128xf32, #tpu.memory_space<vmem>>) dst(%dma_wait3A_727 : memref<8x4x8x128xf32, #tpu.memory_space<hbm>>)
      } else {
      }
      %get3A = arith.constant 0 : index
      %get3A_49 = tpu.vector_load %arg6[%get3A] {strides = array<i32>} : memref<512xi32, #tpu.memory_space<vmem>>, vector<16xi32>,
      %get3A_50 = vector.shape_cast %get3A_49 : vector<16xi32> to vector<16xi32>
      %eq3A = arith.constant 0 : i32
      %eq3A_51 = vector.broadcast %eq3A : i32 to vector<16xi32>
      %eq3A_52 = arith.cmpi eq, %get3A_50, %eq3A_51 : vector<16xi32>
      %eq3A_53 = arith.constant 1 : i32
      %eq3A_54 = vector.broadcast %eq3A_53 : i32 to vector<16xi32>
      %eq3A_55 = arith.cmpi eq, %get3A_50, %eq3A_54 : vector<16xi32>
      %get3A_56 = arith.constant 16 : index
      %get3A_57 = tpu.vector_load %arg6[%get3A_56] {strides = array<i32>} : memref<512xi32, #tpu.memory_space<vmem>>, vector<16xi32>,
      %get3A_58 = vector.shape_cast %get3A_57 : vector<16xi32> to vector<16xi32>
      %eq3A_59 = arith.constant 0 : i32
      %eq3A_60 = vector.broadcast %eq3A_59 : i32 to vector<16xi32>
      %eq3A_61 = arith.cmpi eq, %get3A_58, %eq3A_60 : vector<16xi32>
      %eq3A_62 = arith.constant 1 : i32
      %eq3A_63 = vector.broadcast %eq3A_62 : i32 to vector<16xi32>
      %eq3A_64 = arith.cmpi eq, %get3A_58, %eq3A_63 : vector<16xi32>
      %get3A_65 = arith.constant 32 : index
      %get3A_66 = tpu.vector_load %arg6[%get3A_65] {strides = array<i32>} : memref<512xi32, #tpu.memory_space<vmem>>, vector<16xi32>,
      %get3A_67 = vector.shape_cast %get3A_66 : vector<16xi32> to vector<16xi32>
      %eq3A_68 = arith.constant 0 : i32
      %eq3A_69 = vector.broadcast %eq3A_68 : i32 to vector<16xi32>
      %eq3A_70 = arith.cmpi eq, %get3A_67, %eq3A_69 : vector<16xi32>
      %eq3A_71 = arith.constant 1 : i32
      %eq3A_72 = vector.broadcast %eq3A_71 : i32 to vector<16xi32>
      %eq3A_73 = arith.cmpi eq, %get3A_67, %eq3A_72 : vector<16xi32>
      %get3A_74 = arith.constant 48 : index
      %get3A_75 = tpu.vector_load %arg6[%get3A_74] {strides = array<i32>} : memref<512xi32, #tpu.memory_space<vmem>>, vector<16xi32>,
      %get3A_76 = vector.shape_cast %get3A_75 : vector<16xi32> to vector<16xi32>
      %eq3A_77 = arith.constant 0 : i32
      %eq3A_78 = vector.broadcast %eq3A_77 : i32 to vector<16xi32>
      %eq3A_79 = arith.cmpi eq, %get3A_76, %eq3A_78 : vector<16xi32>
      %eq3A_80 = arith.constant 1 : i32
      %eq3A_81 = vector.broadcast %eq3A_80 : i32 to vector<16xi32>
      %eq3A_82 = arith.cmpi eq, %get3A_76, %eq3A_81 : vector<16xi32>
      %get3A_83 = arith.constant 64 : index
      %get3A_84 = tpu.vector_load %arg6[%get3A_83] {strides = array<i32>} : memref<512xi32, #tpu.memory_space<vmem>>, vector<16xi32>,
      %get3A_85 = vector.shape_cast %get3A_84 : vector<16xi32> to vector<16xi32>
      %eq3A_86 = arith.constant 0 : i32
      %eq3A_87 = vector.broadcast %eq3A_86 : i32 to vector<16xi32>
      %eq3A_88 = arith.cmpi eq, %get3A_85, %eq3A_87 : vector<16xi32>
      %eq3A_89 = arith.constant 1 : i32
      %eq3A_90 = vector.broadcast %eq3A_89 : i32 to vector<16xi32>
      %eq3A_91 = arith.cmpi eq, %get3A_85, %eq3A_90 : vector<16xi32>
      %get3A_92 = arith.constant 80 : index
      %get3A_93 = tpu.vector_load %arg6[%get3A_92] {strides = array<i32>} : memref<512xi32, #tpu.memory_space<vmem>>, vector<16xi32>,
      %get3A_94 = vector.shape_cast %get3A_93 : vector<16xi32> to vector<16xi32>
      %eq3A_95 = arith.constant 0 : i32
      %eq3A_96 = vector.broadcast %eq3A_95 : i32 to vector<16xi32>
      %eq3A_97 = arith.cmpi eq, %get3A_94, %eq3A_96 : vector<16xi32>
      %eq3A_98 = arith.constant 1 : i32
      %eq3A_99 = vector.broadcast %eq3A_98 : i32 to vector<16xi32>
      %eq3A_100 = arith.cmpi eq, %get3A_94, %eq3A_99 : vector<16xi32>
      %get3A_101 = arith.constant 96 : index
      %get3A_102 = tpu.vector_load %arg6[%get3A_101] {strides = array<i32>} : memref<512xi32, #tpu.memory_space<vmem>>, vector<16xi32>,
      %get3A_103 = vector.shape_cast %get3A_102 : vector<16xi32> to vector<16xi32>
      %eq3A_104 = arith.constant 0 : i32
      %eq3A_105 = vector.broadcast %eq3A_104 : i32 to vector<16xi32>
      %eq3A_106 = arith.cmpi eq, %get3A_103, %eq3A_105 : vector<16xi32>
      %eq3A_107 = arith.constant 1 : i32
      %eq3A_108 = vector.broadcast %eq3A_107 : i32 to vector<16xi32>
      %eq3A_109 = arith.cmpi eq, %get3A_103, %eq3A_108 : vector<16xi32>
      %get3A_110 = arith.constant 112 : index
      %get3A_111 = tpu.vector_load %arg6[%get3A_110] {strides = array<i32>} : memref<512xi32, #tpu.memory_space<vmem>>, vector<16xi32>,
      %get3A_112 = vector.shape_cast %get3A_111 : vector<16xi32> to vector<16xi32>
      %eq3A_113 = arith.constant 0 : i32
      %eq3A_114 = vector.broadcast %eq3A_113 : i32 to vector<16xi32>
      %eq3A_115 = arith.cmpi eq, %get3A_112, %eq3A_114 : vector<16xi32>
      %eq3A_116 = arith.constant 1 : i32
      %eq3A_117 = vector.broadcast %eq3A_116 : i32 to vector<16xi32>
      %eq3A_118 = arith.cmpi eq, %get3A_112, %eq3A_117 : vector<16xi32>
      %scan3A_119 = arith.constant 0 : i32
      %scan3A_120 = arith.constant 0 : i32
      %scan3A_121 = arith.constant 64 : i32
      %scan3A_122 = arith.addi %scan3A_120, %scan3A_121 : i32
      %scan3A_123 = arith.constant 1 : i32
      scf.for %scan3A_717 = %scan3A_120 to %scan3A_122 step %scan3A_123  : i32 {
        %get3A_718 = arith.constant 0 : i32
        %get3A_719 = arith.index_cast %get3A_718 : i32 to index
        %get3A_720 = arith.index_cast %scan3A_717 : i32 to index
        %get3A_721 = arith.constant 0 : index
        %get3A_722 = tpu.vector_load %arg5[%get3A_719, %get3A_720, %get3A_721] {strides = array<i32>} : memref<3x64x16xf32, #tpu.memory_space<vmem>>, vector<1x1x16xf32>,
        %get3A_723 = vector.shape_cast %get3A_722 : vector<1x1x16xf32> to vector<16xf32>
        %get3A_724 = arith.constant 1 : i32
        %get3A_725 = arith.index_cast %get3A_724 : i32 to index
        %get3A_726 = arith.index_cast %scan3A_717 : i32 to index
        %get3A_727 = arith.constant 0 : index
        %get3A_728 = tpu.vector_load %arg5[%get3A_725, %get3A_726, %get3A_727] {strides = array<i32>} : memref<3x64x16xf32, #tpu.memory_space<vmem>>, vector<1x1x16xf32>,
        %get3A_729 = vector.shape_cast %get3A_728 : vector<1x1x16xf32> to vector<16xf32>
        %get3A_730 = arith.constant 2 : i32
        %get3A_731 = arith.index_cast %get3A_730 : i32 to index
        %get3A_732 = arith.index_cast %scan3A_717 : i32 to index
        %get3A_733 = arith.constant 0 : index
        %get3A_734 = tpu.vector_load %arg5[%get3A_731, %get3A_732, %get3A_733] {strides = array<i32>} : memref<3x64x16xf32, #tpu.memory_space<vmem>>, vector<1x1x16xf32>,
        %get3A_735 = vector.shape_cast %get3A_734 : vector<1x1x16xf32> to vector<16xf32>
        %shift_right_logical3A = arith.constant 3 : i32
        %shift_right_logical3A_736 = arith.shrui %scan3A_717, %shift_right_logical3A : i32
        %and3A = arith.constant 7 : i32
        %and3A_737 = arith.andi %scan3A_717, %and3A : i32
        %select_n3A = arith.select %eq3A_55, %get3A_729, %get3A_735 : vector<16xi1>, vector<16xf32>
        %select_n3A_738 = arith.select %eq3A_52, %get3A_723, %select_n3A : vector<16xi1>, vector<16xf32>
        %swap3A = arith.constant 0 : i32
        %swap3A_739 = arith.index_cast %shift_right_logical3A_736 : i32 to index
        %swap3A_740 = arith.index_cast %swap3A : i32 to index
        %swap3A_741 = arith.index_cast %and3A_737 : i32 to index
        %swap3A_742 = arith.constant 0 : index
        %swap3A_743 = tpu.vector_load %arg8[%swap3A_739, %swap3A_740, %swap3A_741, %swap3A_742] {strides = array<i32>} : memref<8x4x8x128xf32, #tpu.memory_space<vmem>>, vector<1x1x1x16xf32>,
        %swap3A_744 = vector.shape_cast %swap3A_743 : vector<1x1x1x16xf32> to vector<16xf32>
        %swap3A_745 = vector.shape_cast %select_n3A_738 : vector<16xf32> to vector<1x1x1x16xf32>
        tpu.vector_store %arg8[%swap3A_739, %swap3A_740, %swap3A_741, %swap3A_742], %swap3A_745 {strides = array<i32>} : memref<8x4x8x128xf32, #tpu.memory_space<vmem>>, vector<1x1x1x16xf32>,
        %select_n3A_746 = arith.select %eq3A_64, %get3A_729, %get3A_735 : vector<16xi1>, vector<16xf32>
        %select_n3A_747 = arith.select %eq3A_61, %get3A_723, %select_n3A_746 : vector<16xi1>, vector<16xf32>
        %swap3A_748 = arith.constant 0 : i32
        %swap3A_749 = arith.index_cast %shift_right_logical3A_736 : i32 to index
        %swap3A_750 = arith.index_cast %swap3A_748 : i32 to index
        %swap3A_751 = arith.index_cast %and3A_737 : i32 to index
        %swap3A_752 = arith.constant 16 : index
        %swap3A_753 = tpu.vector_load %arg8[%swap3A_749, %swap3A_750, %swap3A_751, %swap3A_752] {strides = array<i32>} : memref<8x4x8x128xf32, #tpu.memory_space<vmem>>, vector<1x1x1x16xf32>,
        %swap3A_754 = vector.shape_cast %swap3A_753 : vector<1x1x1x16xf32> to vector<16xf32>
        %swap3A_755 = vector.shape_cast %select_n3A_747 : vector<16xf32> to vector<1x1x1x16xf32>
        tpu.vector_store %arg8[%swap3A_749, %swap3A_750, %swap3A_751, %swap3A_752], %swap3A_755 {strides = array<i32>} : memref<8x4x8x128xf32, #tpu.memory_space<vmem>>, vector<1x1x1x16xf32>,
        %select_n3A_756 = arith.select %eq3A_73, %get3A_729, %get3A_735 : vector<16xi1>, vector<16xf32>
        %select_n3A_757 = arith.select %eq3A_70, %get3A_723, %select_n3A_756 : vector<16xi1>, vector<16xf32>
        %swap3A_758 = arith.constant 0 : i32
        %swap3A_759 = arith.index_cast %shift_right_logical3A_736 : i32 to index
        %swap3A_760 = arith.index_cast %swap3A_758 : i32 to index
        %swap3A_761 = arith.index_cast %and3A_737 : i32 to index
        %swap3A_762 = arith.constant 32 : index
        %swap3A_763 = tpu.vector_load %arg8[%swap3A_759, %swap3A_760, %swap3A_761, %swap3A_762] {strides = array<i32>} : memref<8x4x8x128xf32, #tpu.memory_space<vmem>>, vector<1x1x1x16xf32>,
        %swap3A_764 = vector.shape_cast %swap3A_763 : vector<1x1x1x16xf32> to vector<16xf32>
        %swap3A_765 = vector.shape_cast %select_n3A_757 : vector<16xf32> to vector<1x1x1x16xf32>
        tpu.vector_store %arg8[%swap3A_759, %swap3A_760, %swap3A_761, %swap3A_762], %swap3A_765 {strides = array<i32>} : memref<8x4x8x128xf32, #tpu.memory_space<vmem>>, vector<1x1x1x16xf32>,
        %select_n3A_766 = arith.select %eq3A_82, %get3A_729, %get3A_735 : vector<16xi1>, vector<16xf32>
        %select_n3A_767 = arith.select %eq3A_79, %get3A_723, %select_n3A_766 : vector<16xi1>, vector<16xf32>
        %swap3A_768 = arith.constant 0 : i32
        %swap3A_769 = arith.index_cast %shift_right_logical3A_736 : i32 to index
        %swap3A_770 = arith.index_cast %swap3A_768 : i32 to index
        %swap3A_771 = arith.index_cast %and3A_737 : i32 to index
        %swap3A_772 = arith.constant 48 : index
        %swap3A_773 = tpu.vector_load %arg8[%swap3A_769, %swap3A_770, %swap3A_771, %swap3A_772] {strides = array<i32>} : memref<8x4x8x128xf32, #tpu.memory_space<vmem>>, vector<1x1x1x16xf32>,
        %swap3A_774 = vector.shape_cast %swap3A_773 : vector<1x1x1x16xf32> to vector<16xf32>
        %swap3A_775 = vector.shape_cast %select_n3A_767 : vector<16xf32> to vector<1x1x1x16xf32>
        tpu.vector_store %arg8[%swap3A_769, %swap3A_770, %swap3A_771, %swap3A_772], %swap3A_775 {strides = array<i32>} : memref<8x4x8x128xf32, #tpu.memory_space<vmem>>, vector<1x1x1x16xf32>,
        %select_n3A_776 = arith.select %eq3A_91, %get3A_729, %get3A_735 : vector<16xi1>, vector<16xf32>
        %select_n3A_777 = arith.select %eq3A_88, %get3A_723, %select_n3A_776 : vector<16xi1>, vector<16xf32>
        %swap3A_778 = arith.constant 0 : i32
        %swap3A_779 = arith.index_cast %shift_right_logical3A_736 : i32 to index
        %swap3A_780 = arith.index_cast %swap3A_778 : i32 to index
        %swap3A_781 = arith.index_cast %and3A_737 : i32 to index
        %swap3A_782 = arith.constant 64 : index
        %swap3A_783 = tpu.vector_load %arg8[%swap3A_779, %swap3A_780, %swap3A_781, %swap3A_782] {strides = array<i32>} : memref<8x4x8x128xf32, #tpu.memory_space<vmem>>, vector<1x1x1x16xf32>,
        %swap3A_784 = vector.shape_cast %swap3A_783 : vector<1x1x1x16xf32> to vector<16xf32>
        %swap3A_785 = vector.shape_cast %select_n3A_777 : vector<16xf32> to vector<1x1x1x16xf32>
        tpu.vector_store %arg8[%swap3A_779, %swap3A_780, %swap3A_781, %swap3A_782], %swap3A_785 {strides = array<i32>} : memref<8x4x8x128xf32, #tpu.memory_space<vmem>>, vector<1x1x1x16xf32>,
        %select_n3A_786 = arith.select %eq3A_100, %get3A_729, %get3A_735 : vector<16xi1>, vector<16xf32>
        %select_n3A_787 = arith.select %eq3A_97, %get3A_723, %select_n3A_786 : vector<16xi1>, vector<16xf32>
        %swap3A_788 = arith.constant 0 : i32
        %swap3A_789 = arith.index_cast %shift_right_logical3A_736 : i32 to index
        %swap3A_790 = arith.index_cast %swap3A_788 : i32 to index
        %swap3A_791 = arith.index_cast %and3A_737 : i32 to index
        %swap3A_792 = arith.constant 80 : index
        %swap3A_793 = tpu.vector_load %arg8[%swap3A_789, %swap3A_790, %swap3A_791, %swap3A_792] {strides = array<i32>} : memref<8x4x8x128xf32, #tpu.memory_space<vmem>>, vector<1x1x1x16xf32>,
        %swap3A_794 = vector.shape_cast %swap3A_793 : vector<1x1x1x16xf32> to vector<16xf32>
        %swap3A_795 = vector.shape_cast %select_n3A_787 : vector<16xf32> to vector<1x1x1x16xf32>
        tpu.vector_store %arg8[%swap3A_789, %swap3A_790, %swap3A_791, %swap3A_792], %swap3A_795 {strides = array<i32>} : memref<8x4x8x128xf32, #tpu.memory_space<vmem>>, vector<1x1x1x16xf32>,
        %select_n3A_796 = arith.select %eq3A_109, %get3A_729, %get3A_735 : vector<16xi1>, vector<16xf32>
        %select_n3A_797 = arith.select %eq3A_106, %get3A_723, %select_n3A_796 : vector<16xi1>, vector<16xf32>
        %swap3A_798 = arith.constant 0 : i32
        %swap3A_799 = arith.index_cast %shift_right_logical3A_736 : i32 to index
        %swap3A_800 = arith.index_cast %swap3A_798 : i32 to index
        %swap3A_801 = arith.index_cast %and3A_737 : i32 to index
        %swap3A_802 = arith.constant 96 : index
        %swap3A_803 = tpu.vector_load %arg8[%swap3A_799, %swap3A_800, %swap3A_801, %swap3A_802] {strides = array<i32>} : memref<8x4x8x128xf32, #tpu.memory_space<vmem>>, vector<1x1x1x16xf32>,
        %swap3A_804 = vector.shape_cast %swap3A_803 : vector<1x1x1x16xf32> to vector<16xf32>
        %swap3A_805 = vector.shape_cast %select_n3A_797 : vector<16xf32> to vector<1x1x1x16xf32>
        tpu.vector_store %arg8[%swap3A_799, %swap3A_800, %swap3A_801, %swap3A_802], %swap3A_805 {strides = array<i32>} : memref<8x4x8x128xf32, #tpu.memory_space<vmem>>, vector<1x1x1x16xf32>,
        %select_n3A_806 = arith.select %eq3A_118, %get3A_729, %get3A_735 : vector<16xi1>, vector<16xf32>
        %select_n3A_807 = arith.select %eq3A_115, %get3A_723, %select_n3A_806 : vector<16xi1>, vector<16xf32>
        %swap3A_808 = arith.constant 0 : i32
        %swap3A_809 = arith.index_cast %shift_right_logical3A_736 : i32 to index
        %swap3A_810 = arith.index_cast %swap3A_808 : i32 to index
        %swap3A_811 = arith.index_cast %and3A_737 : i32 to index
        %swap3A_812 = arith.constant 112 : index
        %swap3A_813 = tpu.vector_load %arg8[%swap3A_809, %swap3A_810, %swap3A_811, %swap3A_812] {strides = array<i32>} : memref<8x4x8x128xf32, #tpu.memory_space<vmem>>, vector<1x1x1x16xf32>,
        %swap3A_814 = vector.shape_cast %swap3A_813 : vector<1x1x1x16xf32> to vector<16xf32>
        %swap3A_815 = vector.shape_cast %select_n3A_807 : vector<16xf32> to vector<1x1x1x16xf32>
        tpu.vector_store %arg8[%swap3A_809, %swap3A_810, %swap3A_811, %swap3A_812], %swap3A_815 {strides = array<i32>} : memref<8x4x8x128xf32, #tpu.memory_space<vmem>>, vector<1x1x1x16xf32>,
      }
      %scan3A_124 = arith.constant 64 : i32
      %get3A_125 = arith.constant 128 : index
      %get3A_126 = tpu.vector_load %arg6[%get3A_125] {strides = array<i32>} : memref<512xi32, #tpu.memory_space<vmem>>, vector<16xi32>,
      %get3A_127 = vector.shape_cast %get3A_126 : vector<16xi32> to vector<16xi32>
      %eq3A_128 = arith.constant 0 : i32
      %eq3A_129 = vector.broadcast %eq3A_128 : i32 to vector<16xi32>
      %eq3A_130 = arith.cmpi eq, %get3A_127, %eq3A_129 : vector<16xi32>
      %eq3A_131 = arith.constant 1 : i32
      %eq3A_132 = vector.broadcast %eq3A_131 : i32 to vector<16xi32>
      %eq3A_133 = arith.cmpi eq, %get3A_127, %eq3A_132 : vector<16xi32>
      %get3A_134 = arith.constant 144 : index
      %get3A_135 = tpu.vector_load %arg6[%get3A_134] {strides = array<i32>} : memref<512xi32, #tpu.memory_space<vmem>>, vector<16xi32>,
      %get3A_136 = vector.shape_cast %get3A_135 : vector<16xi32> to vector<16xi32>
      %eq3A_137 = arith.constant 0 : i32
      %eq3A_138 = vector.broadcast %eq3A_137 : i32 to vector<16xi32>
      %eq3A_139 = arith.cmpi eq, %get3A_136, %eq3A_138 : vector<16xi32>
      %eq3A_140 = arith.constant 1 : i32
      %eq3A_141 = vector.broadcast %eq3A_140 : i32 to vector<16xi32>
      %eq3A_142 = arith.cmpi eq, %get3A_136, %eq3A_141 : vector<16xi32>
      %get3A_143 = arith.constant 160 : index
      %get3A_144 = tpu.vector_load %arg6[%get3A_143] {strides = array<i32>} : memref<512xi32, #tpu.memory_space<vmem>>, vector<16xi32>,
      %get3A_145 = vector.shape_cast %get3A_144 : vector<16xi32> to vector<16xi32>
      %eq3A_146 = arith.constant 0 : i32
      %eq3A_147 = vector.broadcast %eq3A_146 : i32 to vector<16xi32>
      %eq3A_148 = arith.cmpi eq, %get3A_145, %eq3A_147 : vector<16xi32>
      %eq3A_149 = arith.constant 1 : i32
      %eq3A_150 = vector.broadcast %eq3A_149 : i32 to vector<16xi32>
      %eq3A_151 = arith.cmpi eq, %get3A_145, %eq3A_150 : vector<16xi32>
      %get3A_152 = arith.constant 176 : index
      %get3A_153 = tpu.vector_load %arg6[%get3A_152] {strides = array<i32>} : memref<512xi32, #tpu.memory_space<vmem>>, vector<16xi32>,
      %get3A_154 = vector.shape_cast %get3A_153 : vector<16xi32> to vector<16xi32>
      %eq3A_155 = arith.constant 0 : i32
      %eq3A_156 = vector.broadcast %eq3A_155 : i32 to vector<16xi32>
      %eq3A_157 = arith.cmpi eq, %get3A_154, %eq3A_156 : vector<16xi32>
      %eq3A_158 = arith.constant 1 : i32
      %eq3A_159 = vector.broadcast %eq3A_158 : i32 to vector<16xi32>
      %eq3A_160 = arith.cmpi eq, %get3A_154, %eq3A_159 : vector<16xi32>
      %get3A_161 = arith.constant 192 : index
      %get3A_162 = tpu.vector_load %arg6[%get3A_161] {strides = array<i32>} : memref<512xi32, #tpu.memory_space<vmem>>, vector<16xi32>,
      %get3A_163 = vector.shape_cast %get3A_162 : vector<16xi32> to vector<16xi32>
      %eq3A_164 = arith.constant 0 : i32
      %eq3A_165 = vector.broadcast %eq3A_164 : i32 to vector<16xi32>
      %eq3A_166 = arith.cmpi eq, %get3A_163, %eq3A_165 : vector<16xi32>
      %eq3A_167 = arith.constant 1 : i32
      %eq3A_168 = vector.broadcast %eq3A_167 : i32 to vector<16xi32>
      %eq3A_169 = arith.cmpi eq, %get3A_163, %eq3A_168 : vector<16xi32>
      %get3A_170 = arith.constant 208 : index
      %get3A_171 = tpu.vector_load %arg6[%get3A_170] {strides = array<i32>} : memref<512xi32, #tpu.memory_space<vmem>>, vector<16xi32>,
      %get3A_172 = vector.shape_cast %get3A_171 : vector<16xi32> to vector<16xi32>
      %eq3A_173 = arith.constant 0 : i32
      %eq3A_174 = vector.broadcast %eq3A_173 : i32 to vector<16xi32>
      %eq3A_175 = arith.cmpi eq, %get3A_172, %eq3A_174 : vector<16xi32>
      %eq3A_176 = arith.constant 1 : i32
      %eq3A_177 = vector.broadcast %eq3A_176 : i32 to vector<16xi32>
      %eq3A_178 = arith.cmpi eq, %get3A_172, %eq3A_177 : vector<16xi32>
      %get3A_179 = arith.constant 224 : index
      %get3A_180 = tpu.vector_load %arg6[%get3A_179] {strides = array<i32>} : memref<512xi32, #tpu.memory_space<vmem>>, vector<16xi32>,
      %get3A_181 = vector.shape_cast %get3A_180 : vector<16xi32> to vector<16xi32>
      %eq3A_182 = arith.constant 0 : i32
      %eq3A_183 = vector.broadcast %eq3A_182 : i32 to vector<16xi32>
      %eq3A_184 = arith.cmpi eq, %get3A_181, %eq3A_183 : vector<16xi32>
      %eq3A_185 = arith.constant 1 : i32
      %eq3A_186 = vector.broadcast %eq3A_185 : i32 to vector<16xi32>
      %eq3A_187 = arith.cmpi eq, %get3A_181, %eq3A_186 : vector<16xi32>
      %get3A_188 = arith.constant 240 : index
      %get3A_189 = tpu.vector_load %arg6[%get3A_188] {strides = array<i32>} : memref<512xi32, #tpu.memory_space<vmem>>, vector<16xi32>,
      %get3A_190 = vector.shape_cast %get3A_189 : vector<16xi32> to vector<16xi32>
      %eq3A_191 = arith.constant 0 : i32
      %eq3A_192 = vector.broadcast %eq3A_191 : i32 to vector<16xi32>
      %eq3A_193 = arith.cmpi eq, %get3A_190, %eq3A_192 : vector<16xi32>
      %eq3A_194 = arith.constant 1 : i32
      %eq3A_195 = vector.broadcast %eq3A_194 : i32 to vector<16xi32>
      %eq3A_196 = arith.cmpi eq, %get3A_190, %eq3A_195 : vector<16xi32>
      %scan3A_197 = arith.constant 0 : i32
      %scan3A_198 = arith.constant 0 : i32
      %scan3A_199 = arith.constant 64 : i32
      %scan3A_200 = arith.addi %scan3A_198, %scan3A_199 : i32
      %scan3A_201 = arith.constant 1 : i32
      scf.for %scan3A_717 = %scan3A_198 to %scan3A_200 step %scan3A_201  : i32 {
        %get3A_718 = arith.constant 0 : i32
        %get3A_719 = arith.index_cast %get3A_718 : i32 to index
        %get3A_720 = arith.index_cast %scan3A_717 : i32 to index
        %get3A_721 = arith.constant 0 : index
        %get3A_722 = tpu.vector_load %arg5[%get3A_719, %get3A_720, %get3A_721] {strides = array<i32>} : memref<3x64x16xf32, #tpu.memory_space<vmem>>, vector<1x1x16xf32>,
        %get3A_723 = vector.shape_cast %get3A_722 : vector<1x1x16xf32> to vector<16xf32>
        %get3A_724 = arith.constant 1 : i32
        %get3A_725 = arith.index_cast %get3A_724 : i32 to index
        %get3A_726 = arith.index_cast %scan3A_717 : i32 to index
        %get3A_727 = arith.constant 0 : index
        %get3A_728 = tpu.vector_load %arg5[%get3A_725, %get3A_726, %get3A_727] {strides = array<i32>} : memref<3x64x16xf32, #tpu.memory_space<vmem>>, vector<1x1x16xf32>,
        %get3A_729 = vector.shape_cast %get3A_728 : vector<1x1x16xf32> to vector<16xf32>
        %get3A_730 = arith.constant 2 : i32
        %get3A_731 = arith.index_cast %get3A_730 : i32 to index
        %get3A_732 = arith.index_cast %scan3A_717 : i32 to index
        %get3A_733 = arith.constant 0 : index
        %get3A_734 = tpu.vector_load %arg5[%get3A_731, %get3A_732, %get3A_733] {strides = array<i32>} : memref<3x64x16xf32, #tpu.memory_space<vmem>>, vector<1x1x16xf32>,
        %get3A_735 = vector.shape_cast %get3A_734 : vector<1x1x16xf32> to vector<16xf32>
        %shift_right_logical3A = arith.constant 3 : i32
        %shift_right_logical3A_736 = arith.shrui %scan3A_717, %shift_right_logical3A : i32
        %and3A = arith.constant 7 : i32
        %and3A_737 = arith.andi %scan3A_717, %and3A : i32
        %select_n3A = arith.select %eq3A_133, %get3A_729, %get3A_735 : vector<16xi1>, vector<16xf32>
        %select_n3A_738 = arith.select %eq3A_130, %get3A_723, %select_n3A : vector<16xi1>, vector<16xf32>
        %swap3A = arith.constant 1 : i32
        %swap3A_739 = arith.index_cast %shift_right_logical3A_736 : i32 to index
        %swap3A_740 = arith.index_cast %swap3A : i32 to index
        %swap3A_741 = arith.index_cast %and3A_737 : i32 to index
        %swap3A_742 = arith.constant 0 : index
        %swap3A_743 = tpu.vector_load %arg8[%swap3A_739, %swap3A_740, %swap3A_741, %swap3A_742] {strides = array<i32>} : memref<8x4x8x128xf32, #tpu.memory_space<vmem>>, vector<1x1x1x16xf32>,
        %swap3A_744 = vector.shape_cast %swap3A_743 : vector<1x1x1x16xf32> to vector<16xf32>
        %swap3A_745 = vector.shape_cast %select_n3A_738 : vector<16xf32> to vector<1x1x1x16xf32>
        tpu.vector_store %arg8[%swap3A_739, %swap3A_740, %swap3A_741, %swap3A_742], %swap3A_745 {strides = array<i32>} : memref<8x4x8x128xf32, #tpu.memory_space<vmem>>, vector<1x1x1x16xf32>,
        %select_n3A_746 = arith.select %eq3A_142, %get3A_729, %get3A_735 : vector<16xi1>, vector<16xf32>
        %select_n3A_747 = arith.select %eq3A_139, %get3A_723, %select_n3A_746 : vector<16xi1>, vector<16xf32>
        %swap3A_748 = arith.constant 1 : i32
        %swap3A_749 = arith.index_cast %shift_right_logical3A_736 : i32 to index
        %swap3A_750 = arith.index_cast %swap3A_748 : i32 to index
        %swap3A_751 = arith.index_cast %and3A_737 : i32 to index
        %swap3A_752 = arith.constant 16 : index
        %swap3A_753 = tpu.vector_load %arg8[%swap3A_749, %swap3A_750, %swap3A_751, %swap3A_752] {strides = array<i32>} : memref<8x4x8x128xf32, #tpu.memory_space<vmem>>, vector<1x1x1x16xf32>,
        %swap3A_754 = vector.shape_cast %swap3A_753 : vector<1x1x1x16xf32> to vector<16xf32>
        %swap3A_755 = vector.shape_cast %select_n3A_747 : vector<16xf32> to vector<1x1x1x16xf32>
        tpu.vector_store %arg8[%swap3A_749, %swap3A_750, %swap3A_751, %swap3A_752], %swap3A_755 {strides = array<i32>} : memref<8x4x8x128xf32, #tpu.memory_space<vmem>>, vector<1x1x1x16xf32>,
        %select_n3A_756 = arith.select %eq3A_151, %get3A_729, %get3A_735 : vector<16xi1>, vector<16xf32>
        %select_n3A_757 = arith.select %eq3A_148, %get3A_723, %select_n3A_756 : vector<16xi1>, vector<16xf32>
        %swap3A_758 = arith.constant 1 : i32
        %swap3A_759 = arith.index_cast %shift_right_logical3A_736 : i32 to index
        %swap3A_760 = arith.index_cast %swap3A_758 : i32 to index
        %swap3A_761 = arith.index_cast %and3A_737 : i32 to index
        %swap3A_762 = arith.constant 32 : index
        %swap3A_763 = tpu.vector_load %arg8[%swap3A_759, %swap3A_760, %swap3A_761, %swap3A_762] {strides = array<i32>} : memref<8x4x8x128xf32, #tpu.memory_space<vmem>>, vector<1x1x1x16xf32>,
        %swap3A_764 = vector.shape_cast %swap3A_763 : vector<1x1x1x16xf32> to vector<16xf32>
        %swap3A_765 = vector.shape_cast %select_n3A_757 : vector<16xf32> to vector<1x1x1x16xf32>
        tpu.vector_store %arg8[%swap3A_759, %swap3A_760, %swap3A_761, %swap3A_762], %swap3A_765 {strides = array<i32>} : memref<8x4x8x128xf32, #tpu.memory_space<vmem>>, vector<1x1x1x16xf32>,
        %select_n3A_766 = arith.select %eq3A_160, %get3A_729, %get3A_735 : vector<16xi1>, vector<16xf32>
        %select_n3A_767 = arith.select %eq3A_157, %get3A_723, %select_n3A_766 : vector<16xi1>, vector<16xf32>
        %swap3A_768 = arith.constant 1 : i32
        %swap3A_769 = arith.index_cast %shift_right_logical3A_736 : i32 to index
        %swap3A_770 = arith.index_cast %swap3A_768 : i32 to index
        %swap3A_771 = arith.index_cast %and3A_737 : i32 to index
        %swap3A_772 = arith.constant 48 : index
        %swap3A_773 = tpu.vector_load %arg8[%swap3A_769, %swap3A_770, %swap3A_771, %swap3A_772] {strides = array<i32>} : memref<8x4x8x128xf32, #tpu.memory_space<vmem>>, vector<1x1x1x16xf32>,
        %swap3A_774 = vector.shape_cast %swap3A_773 : vector<1x1x1x16xf32> to vector<16xf32>
        %swap3A_775 = vector.shape_cast %select_n3A_767 : vector<16xf32> to vector<1x1x1x16xf32>
        tpu.vector_store %arg8[%swap3A_769, %swap3A_770, %swap3A_771, %swap3A_772], %swap3A_775 {strides = array<i32>} : memref<8x4x8x128xf32, #tpu.memory_space<vmem>>, vector<1x1x1x16xf32>,
        %select_n3A_776 = arith.select %eq3A_169, %get3A_729, %get3A_735 : vector<16xi1>, vector<16xf32>
        %select_n3A_777 = arith.select %eq3A_166, %get3A_723, %select_n3A_776 : vector<16xi1>, vector<16xf32>
        %swap3A_778 = arith.constant 1 : i32
        %swap3A_779 = arith.index_cast %shift_right_logical3A_736 : i32 to index
        %swap3A_780 = arith.index_cast %swap3A_778 : i32 to index
        %swap3A_781 = arith.index_cast %and3A_737 : i32 to index
        %swap3A_782 = arith.constant 64 : index
        %swap3A_783 = tpu.vector_load %arg8[%swap3A_779, %swap3A_780, %swap3A_781, %swap3A_782] {strides = array<i32>} : memref<8x4x8x128xf32, #tpu.memory_space<vmem>>, vector<1x1x1x16xf32>,
        %swap3A_784 = vector.shape_cast %swap3A_783 : vector<1x1x1x16xf32> to vector<16xf32>
        %swap3A_785 = vector.shape_cast %select_n3A_777 : vector<16xf32> to vector<1x1x1x16xf32>
        tpu.vector_store %arg8[%swap3A_779, %swap3A_780, %swap3A_781, %swap3A_782], %swap3A_785 {strides = array<i32>} : memref<8x4x8x128xf32, #tpu.memory_space<vmem>>, vector<1x1x1x16xf32>,
        %select_n3A_786 = arith.select %eq3A_178, %get3A_729, %get3A_735 : vector<16xi1>, vector<16xf32>
        %select_n3A_787 = arith.select %eq3A_175, %get3A_723, %select_n3A_786 : vector<16xi1>, vector<16xf32>
        %swap3A_788 = arith.constant 1 : i32
        %swap3A_789 = arith.index_cast %shift_right_logical3A_736 : i32 to index
        %swap3A_790 = arith.index_cast %swap3A_788 : i32 to index
        %swap3A_791 = arith.index_cast %and3A_737 : i32 to index
        %swap3A_792 = arith.constant 80 : index
        %swap3A_793 = tpu.vector_load %arg8[%swap3A_789, %swap3A_790, %swap3A_791, %swap3A_792] {strides = array<i32>} : memref<8x4x8x128xf32, #tpu.memory_space<vmem>>, vector<1x1x1x16xf32>,
        %swap3A_794 = vector.shape_cast %swap3A_793 : vector<1x1x1x16xf32> to vector<16xf32>
        %swap3A_795 = vector.shape_cast %select_n3A_787 : vector<16xf32> to vector<1x1x1x16xf32>
        tpu.vector_store %arg8[%swap3A_789, %swap3A_790, %swap3A_791, %swap3A_792], %swap3A_795 {strides = array<i32>} : memref<8x4x8x128xf32, #tpu.memory_space<vmem>>, vector<1x1x1x16xf32>,
        %select_n3A_796 = arith.select %eq3A_187, %get3A_729, %get3A_735 : vector<16xi1>, vector<16xf32>
        %select_n3A_797 = arith.select %eq3A_184, %get3A_723, %select_n3A_796 : vector<16xi1>, vector<16xf32>
        %swap3A_798 = arith.constant 1 : i32
        %swap3A_799 = arith.index_cast %shift_right_logical3A_736 : i32 to index
        %swap3A_800 = arith.index_cast %swap3A_798 : i32 to index
        %swap3A_801 = arith.index_cast %and3A_737 : i32 to index
        %swap3A_802 = arith.constant 96 : index
        %swap3A_803 = tpu.vector_load %arg8[%swap3A_799, %swap3A_800, %swap3A_801, %swap3A_802] {strides = array<i32>} : memref<8x4x8x128xf32, #tpu.memory_space<vmem>>, vector<1x1x1x16xf32>,
        %swap3A_804 = vector.shape_cast %swap3A_803 : vector<1x1x1x16xf32> to vector<16xf32>
        %swap3A_805 = vector.shape_cast %select_n3A_797 : vector<16xf32> to vector<1x1x1x16xf32>
        tpu.vector_store %arg8[%swap3A_799, %swap3A_800, %swap3A_801, %swap3A_802], %swap3A_805 {strides = array<i32>} : memref<8x4x8x128xf32, #tpu.memory_space<vmem>>, vector<1x1x1x16xf32>,
        %select_n3A_806 = arith.select %eq3A_196, %get3A_729, %get3A_735 : vector<16xi1>, vector<16xf32>
        %select_n3A_807 = arith.select %eq3A_193, %get3A_723, %select_n3A_806 : vector<16xi1>, vector<16xf32>
        %swap3A_808 = arith.constant 1 : i32
        %swap3A_809 = arith.index_cast %shift_right_logical3A_736 : i32 to index
        %swap3A_810 = arith.index_cast %swap3A_808 : i32 to index
        %swap3A_811 = arith.index_cast %and3A_737 : i32 to index
        %swap3A_812 = arith.constant 112 : index
        %swap3A_813 = tpu.vector_load %arg8[%swap3A_809, %swap3A_810, %swap3A_811, %swap3A_812] {strides = array<i32>} : memref<8x4x8x128xf32, #tpu.memory_space<vmem>>, vector<1x1x1x16xf32>,
        %swap3A_814 = vector.shape_cast %swap3A_813 : vector<1x1x1x16xf32> to vector<16xf32>
        %swap3A_815 = vector.shape_cast %select_n3A_807 : vector<16xf32> to vector<1x1x1x16xf32>
        tpu.vector_store %arg8[%swap3A_809, %swap3A_810, %swap3A_811, %swap3A_812], %swap3A_815 {strides = array<i32>} : memref<8x4x8x128xf32, #tpu.memory_space<vmem>>, vector<1x1x1x16xf32>,
      }
      %scan3A_202 = arith.constant 64 : i32
      %get3A_203 = arith.constant 256 : index
      %get3A_204 = tpu.vector_load %arg6[%get3A_203] {strides = array<i32>} : memref<512xi32, #tpu.memory_space<vmem>>, vector<16xi32>,
      %get3A_205 = vector.shape_cast %get3A_204 : vector<16xi32> to vector<16xi32>
      %eq3A_206 = arith.constant 0 : i32
      %eq3A_207 = vector.broadcast %eq3A_206 : i32 to vector<16xi32>
      %eq3A_208 = arith.cmpi eq, %get3A_205, %eq3A_207 : vector<16xi32>
      %eq3A_209 = arith.constant 1 : i32
      %eq3A_210 = vector.broadcast %eq3A_209 : i32 to vector<16xi32>
      %eq3A_211 = arith.cmpi eq, %get3A_205, %eq3A_210 : vector<16xi32>
      %get3A_212 = arith.constant 272 : index
      %get3A_213 = tpu.vector_load %arg6[%get3A_212] {strides = array<i32>} : memref<512xi32, #tpu.memory_space<vmem>>, vector<16xi32>,
      %get3A_214 = vector.shape_cast %get3A_213 : vector<16xi32> to vector<16xi32>
      %eq3A_215 = arith.constant 0 : i32
      %eq3A_216 = vector.broadcast %eq3A_215 : i32 to vector<16xi32>
      %eq3A_217 = arith.cmpi eq, %get3A_214, %eq3A_216 : vector<16xi32>
      %eq3A_218 = arith.constant 1 : i32
      %eq3A_219 = vector.broadcast %eq3A_218 : i32 to vector<16xi32>
      %eq3A_220 = arith.cmpi eq, %get3A_214, %eq3A_219 : vector<16xi32>
      %get3A_221 = arith.constant 288 : index
      %get3A_222 = tpu.vector_load %arg6[%get3A_221] {strides = array<i32>} : memref<512xi32, #tpu.memory_space<vmem>>, vector<16xi32>,
      %get3A_223 = vector.shape_cast %get3A_222 : vector<16xi32> to vector<16xi32>
      %eq3A_224 = arith.constant 0 : i32
      %eq3A_225 = vector.broadcast %eq3A_224 : i32 to vector<16xi32>
      %eq3A_226 = arith.cmpi eq, %get3A_223, %eq3A_225 : vector<16xi32>
      %eq3A_227 = arith.constant 1 : i32
      %eq3A_228 = vector.broadcast %eq3A_227 : i32 to vector<16xi32>
      %eq3A_229 = arith.cmpi eq, %get3A_223, %eq3A_228 : vector<16xi32>
      %get3A_230 = arith.constant 304 : index
      %get3A_231 = tpu.vector_load %arg6[%get3A_230] {strides = array<i32>} : memref<512xi32, #tpu.memory_space<vmem>>, vector<16xi32>,
      %get3A_232 = vector.shape_cast %get3A_231 : vector<16xi32> to vector<16xi32>
      %eq3A_233 = arith.constant 0 : i32
      %eq3A_234 = vector.broadcast %eq3A_233 : i32 to vector<16xi32>
      %eq3A_235 = arith.cmpi eq, %get3A_232, %eq3A_234 : vector<16xi32>
      %eq3A_236 = arith.constant 1 : i32
      %eq3A_237 = vector.broadcast %eq3A_236 : i32 to vector<16xi32>
      %eq3A_238 = arith.cmpi eq, %get3A_232, %eq3A_237 : vector<16xi32>
      %get3A_239 = arith.constant 320 : index
      %get3A_240 = tpu.vector_load %arg6[%get3A_239] {strides = array<i32>} : memref<512xi32, #tpu.memory_space<vmem>>, vector<16xi32>,
      %get3A_241 = vector.shape_cast %get3A_240 : vector<16xi32> to vector<16xi32>
      %eq3A_242 = arith.constant 0 : i32
      %eq3A_243 = vector.broadcast %eq3A_242 : i32 to vector<16xi32>
      %eq3A_244 = arith.cmpi eq, %get3A_241, %eq3A_243 : vector<16xi32>
      %eq3A_245 = arith.constant 1 : i32
      %eq3A_246 = vector.broadcast %eq3A_245 : i32 to vector<16xi32>
      %eq3A_247 = arith.cmpi eq, %get3A_241, %eq3A_246 : vector<16xi32>
      %get3A_248 = arith.constant 336 : index
      %get3A_249 = tpu.vector_load %arg6[%get3A_248] {strides = array<i32>} : memref<512xi32, #tpu.memory_space<vmem>>, vector<16xi32>,
      %get3A_250 = vector.shape_cast %get3A_249 : vector<16xi32> to vector<16xi32>
      %eq3A_251 = arith.constant 0 : i32
      %eq3A_252 = vector.broadcast %eq3A_251 : i32 to vector<16xi32>
      %eq3A_253 = arith.cmpi eq, %get3A_250, %eq3A_252 : vector<16xi32>
      %eq3A_254 = arith.constant 1 : i32
      %eq3A_255 = vector.broadcast %eq3A_254 : i32 to vector<16xi32>
      %eq3A_256 = arith.cmpi eq, %get3A_250, %eq3A_255 : vector<16xi32>
      %get3A_257 = arith.constant 352 : index
      %get3A_258 = tpu.vector_load %arg6[%get3A_257] {strides = array<i32>} : memref<512xi32, #tpu.memory_space<vmem>>, vector<16xi32>,
      %get3A_259 = vector.shape_cast %get3A_258 : vector<16xi32> to vector<16xi32>
      %eq3A_260 = arith.constant 0 : i32
      %eq3A_261 = vector.broadcast %eq3A_260 : i32 to vector<16xi32>
      %eq3A_262 = arith.cmpi eq, %get3A_259, %eq3A_261 : vector<16xi32>
      %eq3A_263 = arith.constant 1 : i32
      %eq3A_264 = vector.broadcast %eq3A_263 : i32 to vector<16xi32>
      %eq3A_265 = arith.cmpi eq, %get3A_259, %eq3A_264 : vector<16xi32>
      %get3A_266 = arith.constant 368 : index
      %get3A_267 = tpu.vector_load %arg6[%get3A_266] {strides = array<i32>} : memref<512xi32, #tpu.memory_space<vmem>>, vector<16xi32>,
      %get3A_268 = vector.shape_cast %get3A_267 : vector<16xi32> to vector<16xi32>
      %eq3A_269 = arith.constant 0 : i32
      %eq3A_270 = vector.broadcast %eq3A_269 : i32 to vector<16xi32>
      %eq3A_271 = arith.cmpi eq, %get3A_268, %eq3A_270 : vector<16xi32>
      %eq3A_272 = arith.constant 1 : i32
      %eq3A_273 = vector.broadcast %eq3A_272 : i32 to vector<16xi32>
      %eq3A_274 = arith.cmpi eq, %get3A_268, %eq3A_273 : vector<16xi32>
      %scan3A_275 = arith.constant 0 : i32
      %scan3A_276 = arith.constant 0 : i32
      %scan3A_277 = arith.constant 64 : i32
      %scan3A_278 = arith.addi %scan3A_276, %scan3A_277 : i32
      %scan3A_279 = arith.constant 1 : i32
      scf.for %scan3A_717 = %scan3A_276 to %scan3A_278 step %scan3A_279  : i32 {
        %get3A_718 = arith.constant 0 : i32
        %get3A_719 = arith.index_cast %get3A_718 : i32 to index
        %get3A_720 = arith.index_cast %scan3A_717 : i32 to index
        %get3A_721 = arith.constant 0 : index
        %get3A_722 = tpu.vector_load %arg5[%get3A_719, %get3A_720, %get3A_721] {strides = array<i32>} : memref<3x64x16xf32, #tpu.memory_space<vmem>>, vector<1x1x16xf32>,
        %get3A_723 = vector.shape_cast %get3A_722 : vector<1x1x16xf32> to vector<16xf32>
        %get3A_724 = arith.constant 1 : i32
        %get3A_725 = arith.index_cast %get3A_724 : i32 to index
        %get3A_726 = arith.index_cast %scan3A_717 : i32 to index
        %get3A_727 = arith.constant 0 : index
        %get3A_728 = tpu.vector_load %arg5[%get3A_725, %get3A_726, %get3A_727] {strides = array<i32>} : memref<3x64x16xf32, #tpu.memory_space<vmem>>, vector<1x1x16xf32>,
        %get3A_729 = vector.shape_cast %get3A_728 : vector<1x1x16xf32> to vector<16xf32>
        %get3A_730 = arith.constant 2 : i32
        %get3A_731 = arith.index_cast %get3A_730 : i32 to index
        %get3A_732 = arith.index_cast %scan3A_717 : i32 to index
        %get3A_733 = arith.constant 0 : index
        %get3A_734 = tpu.vector_load %arg5[%get3A_731, %get3A_732, %get3A_733] {strides = array<i32>} : memref<3x64x16xf32, #tpu.memory_space<vmem>>, vector<1x1x16xf32>,
        %get3A_735 = vector.shape_cast %get3A_734 : vector<1x1x16xf32> to vector<16xf32>
        %shift_right_logical3A = arith.constant 3 : i32
        %shift_right_logical3A_736 = arith.shrui %scan3A_717, %shift_right_logical3A : i32
        %and3A = arith.constant 7 : i32
        %and3A_737 = arith.andi %scan3A_717, %and3A : i32
        %select_n3A = arith.select %eq3A_211, %get3A_729, %get3A_735 : vector<16xi1>, vector<16xf32>
        %select_n3A_738 = arith.select %eq3A_208, %get3A_723, %select_n3A : vector<16xi1>, vector<16xf32>
        %swap3A = arith.constant 2 : i32
        %swap3A_739 = arith.index_cast %shift_right_logical3A_736 : i32 to index
        %swap3A_740 = arith.index_cast %swap3A : i32 to index
        %swap3A_741 = arith.index_cast %and3A_737 : i32 to index
        %swap3A_742 = arith.constant 0 : index
        %swap3A_743 = tpu.vector_load %arg8[%swap3A_739, %swap3A_740, %swap3A_741, %swap3A_742] {strides = array<i32>} : memref<8x4x8x128xf32, #tpu.memory_space<vmem>>, vector<1x1x1x16xf32>,
        %swap3A_744 = vector.shape_cast %swap3A_743 : vector<1x1x1x16xf32> to vector<16xf32>
        %swap3A_745 = vector.shape_cast %select_n3A_738 : vector<16xf32> to vector<1x1x1x16xf32>
        tpu.vector_store %arg8[%swap3A_739, %swap3A_740, %swap3A_741, %swap3A_742], %swap3A_745 {strides = array<i32>} : memref<8x4x8x128xf32, #tpu.memory_space<vmem>>, vector<1x1x1x16xf32>,
        %select_n3A_746 = arith.select %eq3A_220, %get3A_729, %get3A_735 : vector<16xi1>, vector<16xf32>
        %select_n3A_747 = arith.select %eq3A_217, %get3A_723, %select_n3A_746 : vector<16xi1>, vector<16xf32>
        %swap3A_748 = arith.constant 2 : i32
        %swap3A_749 = arith.index_cast %shift_right_logical3A_736 : i32 to index
        %swap3A_750 = arith.index_cast %swap3A_748 : i32 to index
        %swap3A_751 = arith.index_cast %and3A_737 : i32 to index
        %swap3A_752 = arith.constant 16 : index
        %swap3A_753 = tpu.vector_load %arg8[%swap3A_749, %swap3A_750, %swap3A_751, %swap3A_752] {strides = array<i32>} : memref<8x4x8x128xf32, #tpu.memory_space<vmem>>, vector<1x1x1x16xf32>,
        %swap3A_754 = vector.shape_cast %swap3A_753 : vector<1x1x1x16xf32> to vector<16xf32>
        %swap3A_755 = vector.shape_cast %select_n3A_747 : vector<16xf32> to vector<1x1x1x16xf32>
        tpu.vector_store %arg8[%swap3A_749, %swap3A_750, %swap3A_751, %swap3A_752], %swap3A_755 {strides = array<i32>} : memref<8x4x8x128xf32, #tpu.memory_space<vmem>>, vector<1x1x1x16xf32>,
        %select_n3A_756 = arith.select %eq3A_229, %get3A_729, %get3A_735 : vector<16xi1>, vector<16xf32>
        %select_n3A_757 = arith.select %eq3A_226, %get3A_723, %select_n3A_756 : vector<16xi1>, vector<16xf32>
        %swap3A_758 = arith.constant 2 : i32
        %swap3A_759 = arith.index_cast %shift_right_logical3A_736 : i32 to index
        %swap3A_760 = arith.index_cast %swap3A_758 : i32 to index
        %swap3A_761 = arith.index_cast %and3A_737 : i32 to index
        %swap3A_762 = arith.constant 32 : index
        %swap3A_763 = tpu.vector_load %arg8[%swap3A_759, %swap3A_760, %swap3A_761, %swap3A_762] {strides = array<i32>} : memref<8x4x8x128xf32, #tpu.memory_space<vmem>>, vector<1x1x1x16xf32>,
        %swap3A_764 = vector.shape_cast %swap3A_763 : vector<1x1x1x16xf32> to vector<16xf32>
        %swap3A_765 = vector.shape_cast %select_n3A_757 : vector<16xf32> to vector<1x1x1x16xf32>
        tpu.vector_store %arg8[%swap3A_759, %swap3A_760, %swap3A_761, %swap3A_762], %swap3A_765 {strides = array<i32>} : memref<8x4x8x128xf32, #tpu.memory_space<vmem>>, vector<1x1x1x16xf32>,
        %select_n3A_766 = arith.select %eq3A_238, %get3A_729, %get3A_735 : vector<16xi1>, vector<16xf32>
        %select_n3A_767 = arith.select %eq3A_235, %get3A_723, %select_n3A_766 : vector<16xi1>, vector<16xf32>
        %swap3A_768 = arith.constant 2 : i32
        %swap3A_769 = arith.index_cast %shift_right_logical3A_736 : i32 to index
        %swap3A_770 = arith.index_cast %swap3A_768 : i32 to index
        %swap3A_771 = arith.index_cast %and3A_737 : i32 to index
        %swap3A_772 = arith.constant 48 : index
        %swap3A_773 = tpu.vector_load %arg8[%swap3A_769, %swap3A_770, %swap3A_771, %swap3A_772] {strides = array<i32>} : memref<8x4x8x128xf32, #tpu.memory_space<vmem>>, vector<1x1x1x16xf32>,
        %swap3A_774 = vector.shape_cast %swap3A_773 : vector<1x1x1x16xf32> to vector<16xf32>
        %swap3A_775 = vector.shape_cast %select_n3A_767 : vector<16xf32> to vector<1x1x1x16xf32>
        tpu.vector_store %arg8[%swap3A_769, %swap3A_770, %swap3A_771, %swap3A_772], %swap3A_775 {strides = array<i32>} : memref<8x4x8x128xf32, #tpu.memory_space<vmem>>, vector<1x1x1x16xf32>,
        %select_n3A_776 = arith.select %eq3A_247, %get3A_729, %get3A_735 : vector<16xi1>, vector<16xf32>
        %select_n3A_777 = arith.select %eq3A_244, %get3A_723, %select_n3A_776 : vector<16xi1>, vector<16xf32>
        %swap3A_778 = arith.constant 2 : i32
        %swap3A_779 = arith.index_cast %shift_right_logical3A_736 : i32 to index
        %swap3A_780 = arith.index_cast %swap3A_778 : i32 to index
        %swap3A_781 = arith.index_cast %and3A_737 : i32 to index
        %swap3A_782 = arith.constant 64 : index
        %swap3A_783 = tpu.vector_load %arg8[%swap3A_779, %swap3A_780, %swap3A_781, %swap3A_782] {strides = array<i32>} : memref<8x4x8x128xf32, #tpu.memory_space<vmem>>, vector<1x1x1x16xf32>,
        %swap3A_784 = vector.shape_cast %swap3A_783 : vector<1x1x1x16xf32> to vector<16xf32>
        %swap3A_785 = vector.shape_cast %select_n3A_777 : vector<16xf32> to vector<1x1x1x16xf32>
        tpu.vector_store %arg8[%swap3A_779, %swap3A_780, %swap3A_781, %swap3A_782], %swap3A_785 {strides = array<i32>} : memref<8x4x8x128xf32, #tpu.memory_space<vmem>>, vector<1x1x1x16xf32>,
        %select_n3A_786 = arith.select %eq3A_256, %get3A_729, %get3A_735 : vector<16xi1>, vector<16xf32>
        %select_n3A_787 = arith.select %eq3A_253, %get3A_723, %select_n3A_786 : vector<16xi1>, vector<16xf32>
        %swap3A_788 = arith.constant 2 : i32
        %swap3A_789 = arith.index_cast %shift_right_logical3A_736 : i32 to index
        %swap3A_790 = arith.index_cast %swap3A_788 : i32 to index
        %swap3A_791 = arith.index_cast %and3A_737 : i32 to index
        %swap3A_792 = arith.constant 80 : index
        %swap3A_793 = tpu.vector_load %arg8[%swap3A_789, %swap3A_790, %swap3A_791, %swap3A_792] {strides = array<i32>} : memref<8x4x8x128xf32, #tpu.memory_space<vmem>>, vector<1x1x1x16xf32>,
        %swap3A_794 = vector.shape_cast %swap3A_793 : vector<1x1x1x16xf32> to vector<16xf32>
        %swap3A_795 = vector.shape_cast %select_n3A_787 : vector<16xf32> to vector<1x1x1x16xf32>
        tpu.vector_store %arg8[%swap3A_789, %swap3A_790, %swap3A_791, %swap3A_792], %swap3A_795 {strides = array<i32>} : memref<8x4x8x128xf32, #tpu.memory_space<vmem>>, vector<1x1x1x16xf32>,
        %select_n3A_796 = arith.select %eq3A_265, %get3A_729, %get3A_735 : vector<16xi1>, vector<16xf32>
        %select_n3A_797 = arith.select %eq3A_262, %get3A_723, %select_n3A_796 : vector<16xi1>, vector<16xf32>
        %swap3A_798 = arith.constant 2 : i32
        %swap3A_799 = arith.index_cast %shift_right_logical3A_736 : i32 to index
        %swap3A_800 = arith.index_cast %swap3A_798 : i32 to index
        %swap3A_801 = arith.index_cast %and3A_737 : i32 to index
        %swap3A_802 = arith.constant 96 : index
        %swap3A_803 = tpu.vector_load %arg8[%swap3A_799, %swap3A_800, %swap3A_801, %swap3A_802] {strides = array<i32>} : memref<8x4x8x128xf32, #tpu.memory_space<vmem>>, vector<1x1x1x16xf32>,
        %swap3A_804 = vector.shape_cast %swap3A_803 : vector<1x1x1x16xf32> to vector<16xf32>
        %swap3A_805 = vector.shape_cast %select_n3A_797 : vector<16xf32> to vector<1x1x1x16xf32>
        tpu.vector_store %arg8[%swap3A_799, %swap3A_800, %swap3A_801, %swap3A_802], %swap3A_805 {strides = array<i32>} : memref<8x4x8x128xf32, #tpu.memory_space<vmem>>, vector<1x1x1x16xf32>,
        %select_n3A_806 = arith.select %eq3A_274, %get3A_729, %get3A_735 : vector<16xi1>, vector<16xf32>
        %select_n3A_807 = arith.select %eq3A_271, %get3A_723, %select_n3A_806 : vector<16xi1>, vector<16xf32>
        %swap3A_808 = arith.constant 2 : i32
        %swap3A_809 = arith.index_cast %shift_right_logical3A_736 : i32 to index
        %swap3A_810 = arith.index_cast %swap3A_808 : i32 to index
        %swap3A_811 = arith.index_cast %and3A_737 : i32 to index
        %swap3A_812 = arith.constant 112 : index
        %swap3A_813 = tpu.vector_load %arg8[%swap3A_809, %swap3A_810, %swap3A_811, %swap3A_812] {strides = array<i32>} : memref<8x4x8x128xf32, #tpu.memory_space<vmem>>, vector<1x1x1x16xf32>,
        %swap3A_814 = vector.shape_cast %swap3A_813 : vector<1x1x1x16xf32> to vector<16xf32>
        %swap3A_815 = vector.shape_cast %select_n3A_807 : vector<16xf32> to vector<1x1x1x16xf32>
        tpu.vector_store %arg8[%swap3A_809, %swap3A_810, %swap3A_811, %swap3A_812], %swap3A_815 {strides = array<i32>} : memref<8x4x8x128xf32, #tpu.memory_space<vmem>>, vector<1x1x1x16xf32>,
      }
      %scan3A_280 = arith.constant 64 : i32
      %get3A_281 = arith.constant 384 : index
      %get3A_282 = tpu.vector_load %arg6[%get3A_281] {strides = array<i32>} : memref<512xi32, #tpu.memory_space<vmem>>, vector<16xi32>,
      %get3A_283 = vector.shape_cast %get3A_282 : vector<16xi32> to vector<16xi32>
      %eq3A_284 = arith.constant 0 : i32
      %eq3A_285 = vector.broadcast %eq3A_284 : i32 to vector<16xi32>
      %eq3A_286 = arith.cmpi eq, %get3A_283, %eq3A_285 : vector<16xi32>
      %eq3A_287 = arith.constant 1 : i32
      %eq3A_288 = vector.broadcast %eq3A_287 : i32 to vector<16xi32>
      %eq3A_289 = arith.cmpi eq, %get3A_283, %eq3A_288 : vector<16xi32>
      %get3A_290 = arith.constant 400 : index
      %get3A_291 = tpu.vector_load %arg6[%get3A_290] {strides = array<i32>} : memref<512xi32, #tpu.memory_space<vmem>>, vector<16xi32>,
      %get3A_292 = vector.shape_cast %get3A_291 : vector<16xi32> to vector<16xi32>
      %eq3A_293 = arith.constant 0 : i32
      %eq3A_294 = vector.broadcast %eq3A_293 : i32 to vector<16xi32>
      %eq3A_295 = arith.cmpi eq, %get3A_292, %eq3A_294 : vector<16xi32>
      %eq3A_296 = arith.constant 1 : i32
      %eq3A_297 = vector.broadcast %eq3A_296 : i32 to vector<16xi32>
      %eq3A_298 = arith.cmpi eq, %get3A_292, %eq3A_297 : vector<16xi32>
      %get3A_299 = arith.constant 416 : index
      %get3A_300 = tpu.vector_load %arg6[%get3A_299] {strides = array<i32>} : memref<512xi32, #tpu.memory_space<vmem>>, vector<16xi32>,
      %get3A_301 = vector.shape_cast %get3A_300 : vector<16xi32> to vector<16xi32>
      %eq3A_302 = arith.constant 0 : i32
      %eq3A_303 = vector.broadcast %eq3A_302 : i32 to vector<16xi32>
      %eq3A_304 = arith.cmpi eq, %get3A_301, %eq3A_303 : vector<16xi32>
      %eq3A_305 = arith.constant 1 : i32
      %eq3A_306 = vector.broadcast %eq3A_305 : i32 to vector<16xi32>
      %eq3A_307 = arith.cmpi eq, %get3A_301, %eq3A_306 : vector<16xi32>
      %get3A_308 = arith.constant 432 : index
      %get3A_309 = tpu.vector_load %arg6[%get3A_308] {strides = array<i32>} : memref<512xi32, #tpu.memory_space<vmem>>, vector<16xi32>,
      %get3A_310 = vector.shape_cast %get3A_309 : vector<16xi32> to vector<16xi32>
      %eq3A_311 = arith.constant 0 : i32
      %eq3A_312 = vector.broadcast %eq3A_311 : i32 to vector<16xi32>
      %eq3A_313 = arith.cmpi eq, %get3A_310, %eq3A_312 : vector<16xi32>
      %eq3A_314 = arith.constant 1 : i32
      %eq3A_315 = vector.broadcast %eq3A_314 : i32 to vector<16xi32>
      %eq3A_316 = arith.cmpi eq, %get3A_310, %eq3A_315 : vector<16xi32>
      %get3A_317 = arith.constant 448 : index
      %get3A_318 = tpu.vector_load %arg6[%get3A_317] {strides = array<i32>} : memref<512xi32, #tpu.memory_space<vmem>>, vector<16xi32>,
      %get3A_319 = vector.shape_cast %get3A_318 : vector<16xi32> to vector<16xi32>
      %eq3A_320 = arith.constant 0 : i32
      %eq3A_321 = vector.broadcast %eq3A_320 : i32 to vector<16xi32>
      %eq3A_322 = arith.cmpi eq, %get3A_319, %eq3A_321 : vector<16xi32>
      %eq3A_323 = arith.constant 1 : i32
      %eq3A_324 = vector.broadcast %eq3A_323 : i32 to vector<16xi32>
      %eq3A_325 = arith.cmpi eq, %get3A_319, %eq3A_324 : vector<16xi32>
      %get3A_326 = arith.constant 464 : index
      %get3A_327 = tpu.vector_load %arg6[%get3A_326] {strides = array<i32>} : memref<512xi32, #tpu.memory_space<vmem>>, vector<16xi32>,
      %get3A_328 = vector.shape_cast %get3A_327 : vector<16xi32> to vector<16xi32>
      %eq3A_329 = arith.constant 0 : i32
      %eq3A_330 = vector.broadcast %eq3A_329 : i32 to vector<16xi32>
      %eq3A_331 = arith.cmpi eq, %get3A_328, %eq3A_330 : vector<16xi32>
      %eq3A_332 = arith.constant 1 : i32
      %eq3A_333 = vector.broadcast %eq3A_332 : i32 to vector<16xi32>
      %eq3A_334 = arith.cmpi eq, %get3A_328, %eq3A_333 : vector<16xi32>
      %get3A_335 = arith.constant 480 : index
      %get3A_336 = tpu.vector_load %arg6[%get3A_335] {strides = array<i32>} : memref<512xi32, #tpu.memory_space<vmem>>, vector<16xi32>,
      %get3A_337 = vector.shape_cast %get3A_336 : vector<16xi32> to vector<16xi32>
      %eq3A_338 = arith.constant 0 : i32
      %eq3A_339 = vector.broadcast %eq3A_338 : i32 to vector<16xi32>
      %eq3A_340 = arith.cmpi eq, %get3A_337, %eq3A_339 : vector<16xi32>
      %eq3A_341 = arith.constant 1 : i32
      %eq3A_342 = vector.broadcast %eq3A_341 : i32 to vector<16xi32>
      %eq3A_343 = arith.cmpi eq, %get3A_337, %eq3A_342 : vector<16xi32>
      %get3A_344 = arith.constant 496 : index
      %get3A_345 = tpu.vector_load %arg6[%get3A_344] {strides = array<i32>} : memref<512xi32, #tpu.memory_space<vmem>>, vector<16xi32>,
      %get3A_346 = vector.shape_cast %get3A_345 : vector<16xi32> to vector<16xi32>
      %eq3A_347 = arith.constant 0 : i32
      %eq3A_348 = vector.broadcast %eq3A_347 : i32 to vector<16xi32>
      %eq3A_349 = arith.cmpi eq, %get3A_346, %eq3A_348 : vector<16xi32>
      %eq3A_350 = arith.constant 1 : i32
      %eq3A_351 = vector.broadcast %eq3A_350 : i32 to vector<16xi32>
      %eq3A_352 = arith.cmpi eq, %get3A_346, %eq3A_351 : vector<16xi32>
      %scan3A_353 = arith.constant 0 : i32
      %scan3A_354 = arith.constant 0 : i32
      %scan3A_355 = arith.constant 64 : i32
      %scan3A_356 = arith.addi %scan3A_354, %scan3A_355 : i32
      %scan3A_357 = arith.constant 1 : i32
      scf.for %scan3A_717 = %scan3A_354 to %scan3A_356 step %scan3A_357  : i32 {
        %get3A_718 = arith.constant 0 : i32
        %get3A_719 = arith.index_cast %get3A_718 : i32 to index
        %get3A_720 = arith.index_cast %scan3A_717 : i32 to index
        %get3A_721 = arith.constant 0 : index
        %get3A_722 = tpu.vector_load %arg5[%get3A_719, %get3A_720, %get3A_721] {strides = array<i32>} : memref<3x64x16xf32, #tpu.memory_space<vmem>>, vector<1x1x16xf32>,
        %get3A_723 = vector.shape_cast %get3A_722 : vector<1x1x16xf32> to vector<16xf32>
        %get3A_724 = arith.constant 1 : i32
        %get3A_725 = arith.index_cast %get3A_724 : i32 to index
        %get3A_726 = arith.index_cast %scan3A_717 : i32 to index
        %get3A_727 = arith.constant 0 : index
        %get3A_728 = tpu.vector_load %arg5[%get3A_725, %get3A_726, %get3A_727] {strides = array<i32>} : memref<3x64x16xf32, #tpu.memory_space<vmem>>, vector<1x1x16xf32>,
        %get3A_729 = vector.shape_cast %get3A_728 : vector<1x1x16xf32> to vector<16xf32>
        %get3A_730 = arith.constant 2 : i32
        %get3A_731 = arith.index_cast %get3A_730 : i32 to index
        %get3A_732 = arith.index_cast %scan3A_717 : i32 to index
        %get3A_733 = arith.constant 0 : index
        %get3A_734 = tpu.vector_load %arg5[%get3A_731, %get3A_732, %get3A_733] {strides = array<i32>} : memref<3x64x16xf32, #tpu.memory_space<vmem>>, vector<1x1x16xf32>,
        %get3A_735 = vector.shape_cast %get3A_734 : vector<1x1x16xf32> to vector<16xf32>
        %shift_right_logical3A = arith.constant 3 : i32
        %shift_right_logical3A_736 = arith.shrui %scan3A_717, %shift_right_logical3A : i32
        %and3A = arith.constant 7 : i32
        %and3A_737 = arith.andi %scan3A_717, %and3A : i32
        %select_n3A = arith.select %eq3A_289, %get3A_729, %get3A_735 : vector<16xi1>, vector<16xf32>
        %select_n3A_738 = arith.select %eq3A_286, %get3A_723, %select_n3A : vector<16xi1>, vector<16xf32>
        %swap3A = arith.constant 3 : i32
        %swap3A_739 = arith.index_cast %shift_right_logical3A_736 : i32 to index
        %swap3A_740 = arith.index_cast %swap3A : i32 to index
        %swap3A_741 = arith.index_cast %and3A_737 : i32 to index
        %swap3A_742 = arith.constant 0 : index
        %swap3A_743 = tpu.vector_load %arg8[%swap3A_739, %swap3A_740, %swap3A_741, %swap3A_742] {strides = array<i32>} : memref<8x4x8x128xf32, #tpu.memory_space<vmem>>, vector<1x1x1x16xf32>,
        %swap3A_744 = vector.shape_cast %swap3A_743 : vector<1x1x1x16xf32> to vector<16xf32>
        %swap3A_745 = vector.shape_cast %select_n3A_738 : vector<16xf32> to vector<1x1x1x16xf32>
        tpu.vector_store %arg8[%swap3A_739, %swap3A_740, %swap3A_741, %swap3A_742], %swap3A_745 {strides = array<i32>} : memref<8x4x8x128xf32, #tpu.memory_space<vmem>>, vector<1x1x1x16xf32>,
        %select_n3A_746 = arith.select %eq3A_298, %get3A_729, %get3A_735 : vector<16xi1>, vector<16xf32>
        %select_n3A_747 = arith.select %eq3A_295, %get3A_723, %select_n3A_746 : vector<16xi1>, vector<16xf32>
        %swap3A_748 = arith.constant 3 : i32
        %swap3A_749 = arith.index_cast %shift_right_logical3A_736 : i32 to index
        %swap3A_750 = arith.index_cast %swap3A_748 : i32 to index
        %swap3A_751 = arith.index_cast %and3A_737 : i32 to index
        %swap3A_752 = arith.constant 16 : index
        %swap3A_753 = tpu.vector_load %arg8[%swap3A_749, %swap3A_750, %swap3A_751, %swap3A_752] {strides = array<i32>} : memref<8x4x8x128xf32, #tpu.memory_space<vmem>>, vector<1x1x1x16xf32>,
        %swap3A_754 = vector.shape_cast %swap3A_753 : vector<1x1x1x16xf32> to vector<16xf32>
        %swap3A_755 = vector.shape_cast %select_n3A_747 : vector<16xf32> to vector<1x1x1x16xf32>
        tpu.vector_store %arg8[%swap3A_749, %swap3A_750, %swap3A_751, %swap3A_752], %swap3A_755 {strides = array<i32>} : memref<8x4x8x128xf32, #tpu.memory_space<vmem>>, vector<1x1x1x16xf32>,
        %select_n3A_756 = arith.select %eq3A_307, %get3A_729, %get3A_735 : vector<16xi1>, vector<16xf32>
        %select_n3A_757 = arith.select %eq3A_304, %get3A_723, %select_n3A_756 : vector<16xi1>, vector<16xf32>
        %swap3A_758 = arith.constant 3 : i32
        %swap3A_759 = arith.index_cast %shift_right_logical3A_736 : i32 to index
        %swap3A_760 = arith.index_cast %swap3A_758 : i32 to index
        %swap3A_761 = arith.index_cast %and3A_737 : i32 to index
        %swap3A_762 = arith.constant 32 : index
        %swap3A_763 = tpu.vector_load %arg8[%swap3A_759, %swap3A_760, %swap3A_761, %swap3A_762] {strides = array<i32>} : memref<8x4x8x128xf32, #tpu.memory_space<vmem>>, vector<1x1x1x16xf32>,
        %swap3A_764 = vector.shape_cast %swap3A_763 : vector<1x1x1x16xf32> to vector<16xf32>
        %swap3A_765 = vector.shape_cast %select_n3A_757 : vector<16xf32> to vector<1x1x1x16xf32>
        tpu.vector_store %arg8[%swap3A_759, %swap3A_760, %swap3A_761, %swap3A_762], %swap3A_765 {strides = array<i32>} : memref<8x4x8x128xf32, #tpu.memory_space<vmem>>, vector<1x1x1x16xf32>,
        %select_n3A_766 = arith.select %eq3A_316, %get3A_729, %get3A_735 : vector<16xi1>, vector<16xf32>
        %select_n3A_767 = arith.select %eq3A_313, %get3A_723, %select_n3A_766 : vector<16xi1>, vector<16xf32>
        %swap3A_768 = arith.constant 3 : i32
        %swap3A_769 = arith.index_cast %shift_right_logical3A_736 : i32 to index
        %swap3A_770 = arith.index_cast %swap3A_768 : i32 to index
        %swap3A_771 = arith.index_cast %and3A_737 : i32 to index
        %swap3A_772 = arith.constant 48 : index
        %swap3A_773 = tpu.vector_load %arg8[%swap3A_769, %swap3A_770, %swap3A_771, %swap3A_772] {strides = array<i32>} : memref<8x4x8x128xf32, #tpu.memory_space<vmem>>, vector<1x1x1x16xf32>,
        %swap3A_774 = vector.shape_cast %swap3A_773 : vector<1x1x1x16xf32> to vector<16xf32>
        %swap3A_775 = vector.shape_cast %select_n3A_767 : vector<16xf32> to vector<1x1x1x16xf32>
        tpu.vector_store %arg8[%swap3A_769, %swap3A_770, %swap3A_771, %swap3A_772], %swap3A_775 {strides = array<i32>} : memref<8x4x8x128xf32, #tpu.memory_space<vmem>>, vector<1x1x1x16xf32>,
        %select_n3A_776 = arith.select %eq3A_325, %get3A_729, %get3A_735 : vector<16xi1>, vector<16xf32>
        %select_n3A_777 = arith.select %eq3A_322, %get3A_723, %select_n3A_776 : vector<16xi1>, vector<16xf32>
        %swap3A_778 = arith.constant 3 : i32
        %swap3A_779 = arith.index_cast %shift_right_logical3A_736 : i32 to index
        %swap3A_780 = arith.index_cast %swap3A_778 : i32 to index
        %swap3A_781 = arith.index_cast %and3A_737 : i32 to index
        %swap3A_782 = arith.constant 64 : index
        %swap3A_783 = tpu.vector_load %arg8[%swap3A_779, %swap3A_780, %swap3A_781, %swap3A_782] {strides = array<i32>} : memref<8x4x8x128xf32, #tpu.memory_space<vmem>>, vector<1x1x1x16xf32>,
        %swap3A_784 = vector.shape_cast %swap3A_783 : vector<1x1x1x16xf32> to vector<16xf32>
        %swap3A_785 = vector.shape_cast %select_n3A_777 : vector<16xf32> to vector<1x1x1x16xf32>
        tpu.vector_store %arg8[%swap3A_779, %swap3A_780, %swap3A_781, %swap3A_782], %swap3A_785 {strides = array<i32>} : memref<8x4x8x128xf32, #tpu.memory_space<vmem>>, vector<1x1x1x16xf32>,
        %select_n3A_786 = arith.select %eq3A_334, %get3A_729, %get3A_735 : vector<16xi1>, vector<16xf32>
        %select_n3A_787 = arith.select %eq3A_331, %get3A_723, %select_n3A_786 : vector<16xi1>, vector<16xf32>
        %swap3A_788 = arith.constant 3 : i32
        %swap3A_789 = arith.index_cast %shift_right_logical3A_736 : i32 to index
        %swap3A_790 = arith.index_cast %swap3A_788 : i32 to index
        %swap3A_791 = arith.index_cast %and3A_737 : i32 to index
        %swap3A_792 = arith.constant 80 : index
        %swap3A_793 = tpu.vector_load %arg8[%swap3A_789, %swap3A_790, %swap3A_791, %swap3A_792] {strides = array<i32>} : memref<8x4x8x128xf32, #tpu.memory_space<vmem>>, vector<1x1x1x16xf32>,
        %swap3A_794 = vector.shape_cast %swap3A_793 : vector<1x1x1x16xf32> to vector<16xf32>
        %swap3A_795 = vector.shape_cast %select_n3A_787 : vector<16xf32> to vector<1x1x1x16xf32>
        tpu.vector_store %arg8[%swap3A_789, %swap3A_790, %swap3A_791, %swap3A_792], %swap3A_795 {strides = array<i32>} : memref<8x4x8x128xf32, #tpu.memory_space<vmem>>, vector<1x1x1x16xf32>,
        %select_n3A_796 = arith.select %eq3A_343, %get3A_729, %get3A_735 : vector<16xi1>, vector<16xf32>
        %select_n3A_797 = arith.select %eq3A_340, %get3A_723, %select_n3A_796 : vector<16xi1>, vector<16xf32>
        %swap3A_798 = arith.constant 3 : i32
        %swap3A_799 = arith.index_cast %shift_right_logical3A_736 : i32 to index
        %swap3A_800 = arith.index_cast %swap3A_798 : i32 to index
        %swap3A_801 = arith.index_cast %and3A_737 : i32 to index
        %swap3A_802 = arith.constant 96 : index
        %swap3A_803 = tpu.vector_load %arg8[%swap3A_799, %swap3A_800, %swap3A_801, %swap3A_802] {strides = array<i32>} : memref<8x4x8x128xf32, #tpu.memory_space<vmem>>, vector<1x1x1x16xf32>,
        %swap3A_804 = vector.shape_cast %swap3A_803 : vector<1x1x1x16xf32> to vector<16xf32>
        %swap3A_805 = vector.shape_cast %select_n3A_797 : vector<16xf32> to vector<1x1x1x16xf32>
        tpu.vector_store %arg8[%swap3A_799, %swap3A_800, %swap3A_801, %swap3A_802], %swap3A_805 {strides = array<i32>} : memref<8x4x8x128xf32, #tpu.memory_space<vmem>>, vector<1x1x1x16xf32>,
        %select_n3A_806 = arith.select %eq3A_352, %get3A_729, %get3A_735 : vector<16xi1>, vector<16xf32>
        %select_n3A_807 = arith.select %eq3A_349, %get3A_723, %select_n3A_806 : vector<16xi1>, vector<16xf32>
        %swap3A_808 = arith.constant 3 : i32
        %swap3A_809 = arith.index_cast %shift_right_logical3A_736 : i32 to index
        %swap3A_810 = arith.index_cast %swap3A_808 : i32 to index
        %swap3A_811 = arith.index_cast %and3A_737 : i32 to index
        %swap3A_812 = arith.constant 112 : index
        %swap3A_813 = tpu.vector_load %arg8[%swap3A_809, %swap3A_810, %swap3A_811, %swap3A_812] {strides = array<i32>} : memref<8x4x8x128xf32, #tpu.memory_space<vmem>>, vector<1x1x1x16xf32>,
        %swap3A_814 = vector.shape_cast %swap3A_813 : vector<1x1x1x16xf32> to vector<16xf32>
        %swap3A_815 = vector.shape_cast %select_n3A_807 : vector<16xf32> to vector<1x1x1x16xf32>
        tpu.vector_store %arg8[%swap3A_809, %swap3A_810, %swap3A_811, %swap3A_812], %swap3A_815 {strides = array<i32>} : memref<8x4x8x128xf32, #tpu.memory_space<vmem>>, vector<1x1x1x16xf32>,
      }
      %scan3A_358 = arith.constant 64 : i32
      %dma_start3A_359 = arith.constant 0 : i32
      %dma_start3A_360 = arith.constant 0 : i32
      %dma_start3A_361 = arith.constant 0 : i32
      %dma_start3A_362 = tpu.memref_slice %arg4[%mul3A_42, %dma_start3A_359, %mul3A_4, %dma_start3A_360, %dma_start3A_361] : memref<200x8x128x8x128xf32, #tpu.memory_space<hbm>> -> memref<1x8x4x8x128xf32, #tpu.memory_space<hbm>>
      %dma_start3A_363 = tpu.memref_squeeze %dma_start3A_362 : memref<1x8x4x8x128xf32, #tpu.memory_space<hbm>> -> memref<8x4x8x128xf32, #tpu.memory_space<hbm>>
      %dma_start3A_364 = arith.constant 0 : i32
      %dma_start3A_365 = arith.constant 0 : i32
      %dma_start3A_366 = arith.constant 0 : i32
      %dma_start3A_367 = tpu.memref_slice %arg4[%mul3A_42, %dma_start3A_364, %mul3A_4, %dma_start3A_365, %dma_start3A_366] : memref<200x8x128x8x128xf32, #tpu.memory_space<hbm>> -> memref<1x8x4x8x128xf32, #tpu.memory_space<hbm>>
      %dma_start3A_368 = tpu.memref_squeeze %dma_start3A_367 : memref<1x8x4x8x128xf32, #tpu.memory_space<hbm>> -> memref<8x4x8x128xf32, #tpu.memory_space<hbm>>
      tpu.enqueue_dma source(%arg8 : memref<8x4x8x128xf32, #tpu.memory_space<vmem>>) target(%dma_start3A_368 : memref<8x4x8x128xf32, #tpu.memory_space<hbm>>) target_semaphore(%arg12 : memref<!tpu.dma_semaphore, #tpu.memory_space<semaphore_mem>>)
      %add3A_369 = arith.constant 2 : i32
      %add3A_370 = arith.addi %mul3A_42, %add3A_369 : i32
      %lt3A = arith.constant 200 : i32
      %lt3A_371 = arith.cmpi slt, %add3A_370, %lt3A : i32
      %convert_element_type3A_372 = arith.extui %lt3A_371 : i1 to i32
      %cond3A_373 = arith.constant 0 : i32
      %cond3A_374 = arith.cmpi ne, %convert_element_type3A_372, %cond3A_373 : i32
      scf.if %cond3A_374 {
        %add3A_717 = arith.constant 2 : i32
        %add3A_718 = arith.addi %mul3A_42, %add3A_717 : i32
        %dma_start3A_719 = tpu.memref_slice %arg3[%add3A_718, %mul3A_2] : memref<200x16384xi32, #tpu.memory_space<hbm>> -> memref<1x512xi32, #tpu.memory_space<hbm>>
        %dma_start3A_720 = tpu.memref_squeeze %dma_start3A_719 : memref<1x512xi32, #tpu.memory_space<hbm>> -> memref<512xi32, #tpu.memory_space<hbm>>
        %dma_start3A_721 = tpu.memref_slice %arg3[%add3A_718, %mul3A_2] : memref<200x16384xi32, #tpu.memory_space<hbm>> -> memref<1x512xi32, #tpu.memory_space<hbm>>
        %dma_start3A_722 = tpu.memref_squeeze %dma_start3A_721 : memref<1x512xi32, #tpu.memory_space<hbm>> -> memref<512xi32, #tpu.memory_space<hbm>>
        tpu.enqueue_dma source(%dma_start3A_722 : memref<512xi32, #tpu.memory_space<hbm>>) target(%arg6 : memref<512xi32, #tpu.memory_space<vmem>>) target_semaphore(%arg10 : memref<!tpu.dma_semaphore, #tpu.memory_space<semaphore_mem>>)
      } else {
      }
      %add3A_375 = arith.constant 1 : i32
      %add3A_376 = arith.addi %mul3A_42, %add3A_375 : i32
      %dma_wait3A_377 = tpu.memref_slice %arg3[%add3A_376, %mul3A_2] : memref<200x16384xi32, #tpu.memory_space<hbm>> -> memref<1x512xi32, #tpu.memory_space<hbm>>
      %dma_wait3A_378 = tpu.memref_squeeze %dma_wait3A_377 : memref<1x512xi32, #tpu.memory_space<hbm>> -> memref<512xi32, #tpu.memory_space<hbm>>
      %dma_wait3A_379 = tpu.memref_slice %arg3[%add3A_376, %mul3A_2] : memref<200x16384xi32, #tpu.memory_space<hbm>> -> memref<1x512xi32, #tpu.memory_space<hbm>>
      %dma_wait3A_380 = tpu.memref_squeeze %dma_wait3A_379 : memref<1x512xi32, #tpu.memory_space<hbm>> -> memref<512xi32, #tpu.memory_space<hbm>>
      tpu.wait_dma2 semaphore(%arg11 : memref<!tpu.dma_semaphore, #tpu.memory_space<semaphore_mem>>) src(%dma_wait3A_380 : memref<512xi32, #tpu.memory_space<hbm>>) dst(%arg7 : memref<512xi32, #tpu.memory_space<vmem>>)
      %ge3A_381 = arith.constant 2 : i32
      %ge3A_382 = arith.cmpi sge, %mul3A_42, %ge3A_381 : i32
      %convert_element_type3A_383 = arith.extui %ge3A_382 : i1 to i32
      %cond3A_384 = arith.constant 0 : i32
      %cond3A_385 = arith.cmpi ne, %convert_element_type3A_383, %cond3A_384 : i32
      scf.if %cond3A_385 {
        %sub3A = arith.constant 1 : i32
        %sub3A_717 = arith.subi %mul3A_42, %sub3A : i32
        %dma_wait3A_718 = arith.constant 0 : i32
        %dma_wait3A_719 = arith.constant 0 : i32
        %dma_wait3A_720 = arith.constant 0 : i32
        %dma_wait3A_721 = tpu.memref_slice %arg4[%sub3A_717, %dma_wait3A_718, %mul3A_4, %dma_wait3A_719, %dma_wait3A_720] : memref<200x8x128x8x128xf32, #tpu.memory_space<hbm>> -> memref<1x8x4x8x128xf32, #tpu.memory_space<hbm>>
        %dma_wait3A_722 = tpu.memref_squeeze %dma_wait3A_721 : memref<1x8x4x8x128xf32, #tpu.memory_space<hbm>> -> memref<8x4x8x128xf32, #tpu.memory_space<hbm>>
        %dma_wait3A_723 = arith.constant 0 : i32
        %dma_wait3A_724 = arith.constant 0 : i32
        %dma_wait3A_725 = arith.constant 0 : i32
        %dma_wait3A_726 = tpu.memref_slice %arg4[%sub3A_717, %dma_wait3A_723, %mul3A_4, %dma_wait3A_724, %dma_wait3A_725] : memref<200x8x128x8x128xf32, #tpu.memory_space<hbm>> -> memref<1x8x4x8x128xf32, #tpu.memory_space<hbm>>
        %dma_wait3A_727 = tpu.memref_squeeze %dma_wait3A_726 : memref<1x8x4x8x128xf32, #tpu.memory_space<hbm>> -> memref<8x4x8x128xf32, #tpu.memory_space<hbm>>
        tpu.wait_dma2 semaphore(%arg13 : memref<!tpu.dma_semaphore, #tpu.memory_space<semaphore_mem>>) src(%arg9 : memref<8x4x8x128xf32, #tpu.memory_space<vmem>>) dst(%dma_wait3A_727 : memref<8x4x8x128xf32, #tpu.memory_space<hbm>>)
      } else {
      }
      %get3A_386 = arith.constant 0 : index
      %get3A_387 = tpu.vector_load %arg7[%get3A_386] {strides = array<i32>} : memref<512xi32, #tpu.memory_space<vmem>>, vector<16xi32>,
      %get3A_388 = vector.shape_cast %get3A_387 : vector<16xi32> to vector<16xi32>
      %eq3A_389 = arith.constant 0 : i32
      %eq3A_390 = vector.broadcast %eq3A_389 : i32 to vector<16xi32>
      %eq3A_391 = arith.cmpi eq, %get3A_388, %eq3A_390 : vector<16xi32>
      %eq3A_392 = arith.constant 1 : i32
      %eq3A_393 = vector.broadcast %eq3A_392 : i32 to vector<16xi32>
      %eq3A_394 = arith.cmpi eq, %get3A_388, %eq3A_393 : vector<16xi32>
      %get3A_395 = arith.constant 16 : index
      %get3A_396 = tpu.vector_load %arg7[%get3A_395] {strides = array<i32>} : memref<512xi32, #tpu.memory_space<vmem>>, vector<16xi32>,
      %get3A_397 = vector.shape_cast %get3A_396 : vector<16xi32> to vector<16xi32>
      %eq3A_398 = arith.constant 0 : i32
      %eq3A_399 = vector.broadcast %eq3A_398 : i32 to vector<16xi32>
      %eq3A_400 = arith.cmpi eq, %get3A_397, %eq3A_399 : vector<16xi32>
      %eq3A_401 = arith.constant 1 : i32
      %eq3A_402 = vector.broadcast %eq3A_401 : i32 to vector<16xi32>
      %eq3A_403 = arith.cmpi eq, %get3A_397, %eq3A_402 : vector<16xi32>
      %get3A_404 = arith.constant 32 : index
      %get3A_405 = tpu.vector_load %arg7[%get3A_404] {strides = array<i32>} : memref<512xi32, #tpu.memory_space<vmem>>, vector<16xi32>,
      %get3A_406 = vector.shape_cast %get3A_405 : vector<16xi32> to vector<16xi32>
      %eq3A_407 = arith.constant 0 : i32
      %eq3A_408 = vector.broadcast %eq3A_407 : i32 to vector<16xi32>
      %eq3A_409 = arith.cmpi eq, %get3A_406, %eq3A_408 : vector<16xi32>
      %eq3A_410 = arith.constant 1 : i32
      %eq3A_411 = vector.broadcast %eq3A_410 : i32 to vector<16xi32>
      %eq3A_412 = arith.cmpi eq, %get3A_406, %eq3A_411 : vector<16xi32>
      %get3A_413 = arith.constant 48 : index
      %get3A_414 = tpu.vector_load %arg7[%get3A_413] {strides = array<i32>} : memref<512xi32, #tpu.memory_space<vmem>>, vector<16xi32>,
      %get3A_415 = vector.shape_cast %get3A_414 : vector<16xi32> to vector<16xi32>
      %eq3A_416 = arith.constant 0 : i32
      %eq3A_417 = vector.broadcast %eq3A_416 : i32 to vector<16xi32>
      %eq3A_418 = arith.cmpi eq, %get3A_415, %eq3A_417 : vector<16xi32>
      %eq3A_419 = arith.constant 1 : i32
      %eq3A_420 = vector.broadcast %eq3A_419 : i32 to vector<16xi32>
      %eq3A_421 = arith.cmpi eq, %get3A_415, %eq3A_420 : vector<16xi32>
      %get3A_422 = arith.constant 64 : index
      %get3A_423 = tpu.vector_load %arg7[%get3A_422] {strides = array<i32>} : memref<512xi32, #tpu.memory_space<vmem>>, vector<16xi32>,
      %get3A_424 = vector.shape_cast %get3A_423 : vector<16xi32> to vector<16xi32>
      %eq3A_425 = arith.constant 0 : i32
      %eq3A_426 = vector.broadcast %eq3A_425 : i32 to vector<16xi32>
      %eq3A_427 = arith.cmpi eq, %get3A_424, %eq3A_426 : vector<16xi32>
      %eq3A_428 = arith.constant 1 : i32
      %eq3A_429 = vector.broadcast %eq3A_428 : i32 to vector<16xi32>
      %eq3A_430 = arith.cmpi eq, %get3A_424, %eq3A_429 : vector<16xi32>
      %get3A_431 = arith.constant 80 : index
      %get3A_432 = tpu.vector_load %arg7[%get3A_431] {strides = array<i32>} : memref<512xi32, #tpu.memory_space<vmem>>, vector<16xi32>,
      %get3A_433 = vector.shape_cast %get3A_432 : vector<16xi32> to vector<16xi32>
      %eq3A_434 = arith.constant 0 : i32
      %eq3A_435 = vector.broadcast %eq3A_434 : i32 to vector<16xi32>
      %eq3A_436 = arith.cmpi eq, %get3A_433, %eq3A_435 : vector<16xi32>
      %eq3A_437 = arith.constant 1 : i32
      %eq3A_438 = vector.broadcast %eq3A_437 : i32 to vector<16xi32>
      %eq3A_439 = arith.cmpi eq, %get3A_433, %eq3A_438 : vector<16xi32>
      %get3A_440 = arith.constant 96 : index
      %get3A_441 = tpu.vector_load %arg7[%get3A_440] {strides = array<i32>} : memref<512xi32, #tpu.memory_space<vmem>>, vector<16xi32>,
      %get3A_442 = vector.shape_cast %get3A_441 : vector<16xi32> to vector<16xi32>
      %eq3A_443 = arith.constant 0 : i32
      %eq3A_444 = vector.broadcast %eq3A_443 : i32 to vector<16xi32>
      %eq3A_445 = arith.cmpi eq, %get3A_442, %eq3A_444 : vector<16xi32>
      %eq3A_446 = arith.constant 1 : i32
      %eq3A_447 = vector.broadcast %eq3A_446 : i32 to vector<16xi32>
      %eq3A_448 = arith.cmpi eq, %get3A_442, %eq3A_447 : vector<16xi32>
      %get3A_449 = arith.constant 112 : index
      %get3A_450 = tpu.vector_load %arg7[%get3A_449] {strides = array<i32>} : memref<512xi32, #tpu.memory_space<vmem>>, vector<16xi32>,
      %get3A_451 = vector.shape_cast %get3A_450 : vector<16xi32> to vector<16xi32>
      %eq3A_452 = arith.constant 0 : i32
      %eq3A_453 = vector.broadcast %eq3A_452 : i32 to vector<16xi32>
      %eq3A_454 = arith.cmpi eq, %get3A_451, %eq3A_453 : vector<16xi32>
      %eq3A_455 = arith.constant 1 : i32
      %eq3A_456 = vector.broadcast %eq3A_455 : i32 to vector<16xi32>
      %eq3A_457 = arith.cmpi eq, %get3A_451, %eq3A_456 : vector<16xi32>
      %scan3A_458 = arith.constant 0 : i32
      %scan3A_459 = arith.constant 0 : i32
      %scan3A_460 = arith.constant 64 : i32
      %scan3A_461 = arith.addi %scan3A_459, %scan3A_460 : i32
      %scan3A_462 = arith.constant 1 : i32
      scf.for %scan3A_717 = %scan3A_459 to %scan3A_461 step %scan3A_462  : i32 {
        %get3A_718 = arith.constant 0 : i32
        %get3A_719 = arith.index_cast %get3A_718 : i32 to index
        %get3A_720 = arith.index_cast %scan3A_717 : i32 to index
        %get3A_721 = arith.constant 0 : index
        %get3A_722 = tpu.vector_load %arg5[%get3A_719, %get3A_720, %get3A_721] {strides = array<i32>} : memref<3x64x16xf32, #tpu.memory_space<vmem>>, vector<1x1x16xf32>,
        %get3A_723 = vector.shape_cast %get3A_722 : vector<1x1x16xf32> to vector<16xf32>
        %get3A_724 = arith.constant 1 : i32
        %get3A_725 = arith.index_cast %get3A_724 : i32 to index
        %get3A_726 = arith.index_cast %scan3A_717 : i32 to index
        %get3A_727 = arith.constant 0 : index
        %get3A_728 = tpu.vector_load %arg5[%get3A_725, %get3A_726, %get3A_727] {strides = array<i32>} : memref<3x64x16xf32, #tpu.memory_space<vmem>>, vector<1x1x16xf32>,
        %get3A_729 = vector.shape_cast %get3A_728 : vector<1x1x16xf32> to vector<16xf32>
        %get3A_730 = arith.constant 2 : i32
        %get3A_731 = arith.index_cast %get3A_730 : i32 to index
        %get3A_732 = arith.index_cast %scan3A_717 : i32 to index
        %get3A_733 = arith.constant 0 : index
        %get3A_734 = tpu.vector_load %arg5[%get3A_731, %get3A_732, %get3A_733] {strides = array<i32>} : memref<3x64x16xf32, #tpu.memory_space<vmem>>, vector<1x1x16xf32>,
        %get3A_735 = vector.shape_cast %get3A_734 : vector<1x1x16xf32> to vector<16xf32>
        %shift_right_logical3A = arith.constant 3 : i32
        %shift_right_logical3A_736 = arith.shrui %scan3A_717, %shift_right_logical3A : i32
        %and3A = arith.constant 7 : i32
        %and3A_737 = arith.andi %scan3A_717, %and3A : i32
        %select_n3A = arith.select %eq3A_394, %get3A_729, %get3A_735 : vector<16xi1>, vector<16xf32>
        %select_n3A_738 = arith.select %eq3A_391, %get3A_723, %select_n3A : vector<16xi1>, vector<16xf32>
        %swap3A = arith.constant 0 : i32
        %swap3A_739 = arith.index_cast %shift_right_logical3A_736 : i32 to index
        %swap3A_740 = arith.index_cast %swap3A : i32 to index
        %swap3A_741 = arith.index_cast %and3A_737 : i32 to index
        %swap3A_742 = arith.constant 0 : index
        %swap3A_743 = tpu.vector_load %arg9[%swap3A_739, %swap3A_740, %swap3A_741, %swap3A_742] {strides = array<i32>} : memref<8x4x8x128xf32, #tpu.memory_space<vmem>>, vector<1x1x1x16xf32>,
        %swap3A_744 = vector.shape_cast %swap3A_743 : vector<1x1x1x16xf32> to vector<16xf32>
        %swap3A_745 = vector.shape_cast %select_n3A_738 : vector<16xf32> to vector<1x1x1x16xf32>
        tpu.vector_store %arg9[%swap3A_739, %swap3A_740, %swap3A_741, %swap3A_742], %swap3A_745 {strides = array<i32>} : memref<8x4x8x128xf32, #tpu.memory_space<vmem>>, vector<1x1x1x16xf32>,
        %select_n3A_746 = arith.select %eq3A_403, %get3A_729, %get3A_735 : vector<16xi1>, vector<16xf32>
        %select_n3A_747 = arith.select %eq3A_400, %get3A_723, %select_n3A_746 : vector<16xi1>, vector<16xf32>
        %swap3A_748 = arith.constant 0 : i32
        %swap3A_749 = arith.index_cast %shift_right_logical3A_736 : i32 to index
        %swap3A_750 = arith.index_cast %swap3A_748 : i32 to index
        %swap3A_751 = arith.index_cast %and3A_737 : i32 to index
        %swap3A_752 = arith.constant 16 : index
        %swap3A_753 = tpu.vector_load %arg9[%swap3A_749, %swap3A_750, %swap3A_751, %swap3A_752] {strides = array<i32>} : memref<8x4x8x128xf32, #tpu.memory_space<vmem>>, vector<1x1x1x16xf32>,
        %swap3A_754 = vector.shape_cast %swap3A_753 : vector<1x1x1x16xf32> to vector<16xf32>
        %swap3A_755 = vector.shape_cast %select_n3A_747 : vector<16xf32> to vector<1x1x1x16xf32>
        tpu.vector_store %arg9[%swap3A_749, %swap3A_750, %swap3A_751, %swap3A_752], %swap3A_755 {strides = array<i32>} : memref<8x4x8x128xf32, #tpu.memory_space<vmem>>, vector<1x1x1x16xf32>,
        %select_n3A_756 = arith.select %eq3A_412, %get3A_729, %get3A_735 : vector<16xi1>, vector<16xf32>
        %select_n3A_757 = arith.select %eq3A_409, %get3A_723, %select_n3A_756 : vector<16xi1>, vector<16xf32>
        %swap3A_758 = arith.constant 0 : i32
        %swap3A_759 = arith.index_cast %shift_right_logical3A_736 : i32 to index
        %swap3A_760 = arith.index_cast %swap3A_758 : i32 to index
        %swap3A_761 = arith.index_cast %and3A_737 : i32 to index
        %swap3A_762 = arith.constant 32 : index
        %swap3A_763 = tpu.vector_load %arg9[%swap3A_759, %swap3A_760, %swap3A_761, %swap3A_762] {strides = array<i32>} : memref<8x4x8x128xf32, #tpu.memory_space<vmem>>, vector<1x1x1x16xf32>,
        %swap3A_764 = vector.shape_cast %swap3A_763 : vector<1x1x1x16xf32> to vector<16xf32>
        %swap3A_765 = vector.shape_cast %select_n3A_757 : vector<16xf32> to vector<1x1x1x16xf32>
        tpu.vector_store %arg9[%swap3A_759, %swap3A_760, %swap3A_761, %swap3A_762], %swap3A_765 {strides = array<i32>} : memref<8x4x8x128xf32, #tpu.memory_space<vmem>>, vector<1x1x1x16xf32>,
        %select_n3A_766 = arith.select %eq3A_421, %get3A_729, %get3A_735 : vector<16xi1>, vector<16xf32>
        %select_n3A_767 = arith.select %eq3A_418, %get3A_723, %select_n3A_766 : vector<16xi1>, vector<16xf32>
        %swap3A_768 = arith.constant 0 : i32
        %swap3A_769 = arith.index_cast %shift_right_logical3A_736 : i32 to index
        %swap3A_770 = arith.index_cast %swap3A_768 : i32 to index
        %swap3A_771 = arith.index_cast %and3A_737 : i32 to index
        %swap3A_772 = arith.constant 48 : index
        %swap3A_773 = tpu.vector_load %arg9[%swap3A_769, %swap3A_770, %swap3A_771, %swap3A_772] {strides = array<i32>} : memref<8x4x8x128xf32, #tpu.memory_space<vmem>>, vector<1x1x1x16xf32>,
        %swap3A_774 = vector.shape_cast %swap3A_773 : vector<1x1x1x16xf32> to vector<16xf32>
        %swap3A_775 = vector.shape_cast %select_n3A_767 : vector<16xf32> to vector<1x1x1x16xf32>
        tpu.vector_store %arg9[%swap3A_769, %swap3A_770, %swap3A_771, %swap3A_772], %swap3A_775 {strides = array<i32>} : memref<8x4x8x128xf32, #tpu.memory_space<vmem>>, vector<1x1x1x16xf32>,
        %select_n3A_776 = arith.select %eq3A_430, %get3A_729, %get3A_735 : vector<16xi1>, vector<16xf32>
        %select_n3A_777 = arith.select %eq3A_427, %get3A_723, %select_n3A_776 : vector<16xi1>, vector<16xf32>
        %swap3A_778 = arith.constant 0 : i32
        %swap3A_779 = arith.index_cast %shift_right_logical3A_736 : i32 to index
        %swap3A_780 = arith.index_cast %swap3A_778 : i32 to index
        %swap3A_781 = arith.index_cast %and3A_737 : i32 to index
        %swap3A_782 = arith.constant 64 : index
        %swap3A_783 = tpu.vector_load %arg9[%swap3A_779, %swap3A_780, %swap3A_781, %swap3A_782] {strides = array<i32>} : memref<8x4x8x128xf32, #tpu.memory_space<vmem>>, vector<1x1x1x16xf32>,
        %swap3A_784 = vector.shape_cast %swap3A_783 : vector<1x1x1x16xf32> to vector<16xf32>
        %swap3A_785 = vector.shape_cast %select_n3A_777 : vector<16xf32> to vector<1x1x1x16xf32>
        tpu.vector_store %arg9[%swap3A_779, %swap3A_780, %swap3A_781, %swap3A_782], %swap3A_785 {strides = array<i32>} : memref<8x4x8x128xf32, #tpu.memory_space<vmem>>, vector<1x1x1x16xf32>,
        %select_n3A_786 = arith.select %eq3A_439, %get3A_729, %get3A_735 : vector<16xi1>, vector<16xf32>
        %select_n3A_787 = arith.select %eq3A_436, %get3A_723, %select_n3A_786 : vector<16xi1>, vector<16xf32>
        %swap3A_788 = arith.constant 0 : i32
        %swap3A_789 = arith.index_cast %shift_right_logical3A_736 : i32 to index
        %swap3A_790 = arith.index_cast %swap3A_788 : i32 to index
        %swap3A_791 = arith.index_cast %and3A_737 : i32 to index
        %swap3A_792 = arith.constant 80 : index
        %swap3A_793 = tpu.vector_load %arg9[%swap3A_789, %swap3A_790, %swap3A_791, %swap3A_792] {strides = array<i32>} : memref<8x4x8x128xf32, #tpu.memory_space<vmem>>, vector<1x1x1x16xf32>,
        %swap3A_794 = vector.shape_cast %swap3A_793 : vector<1x1x1x16xf32> to vector<16xf32>
        %swap3A_795 = vector.shape_cast %select_n3A_787 : vector<16xf32> to vector<1x1x1x16xf32>
        tpu.vector_store %arg9[%swap3A_789, %swap3A_790, %swap3A_791, %swap3A_792], %swap3A_795 {strides = array<i32>} : memref<8x4x8x128xf32, #tpu.memory_space<vmem>>, vector<1x1x1x16xf32>,
        %select_n3A_796 = arith.select %eq3A_448, %get3A_729, %get3A_735 : vector<16xi1>, vector<16xf32>
        %select_n3A_797 = arith.select %eq3A_445, %get3A_723, %select_n3A_796 : vector<16xi1>, vector<16xf32>
        %swap3A_798 = arith.constant 0 : i32
        %swap3A_799 = arith.index_cast %shift_right_logical3A_736 : i32 to index
        %swap3A_800 = arith.index_cast %swap3A_798 : i32 to index
        %swap3A_801 = arith.index_cast %and3A_737 : i32 to index
        %swap3A_802 = arith.constant 96 : index
        %swap3A_803 = tpu.vector_load %arg9[%swap3A_799, %swap3A_800, %swap3A_801, %swap3A_802] {strides = array<i32>} : memref<8x4x8x128xf32, #tpu.memory_space<vmem>>, vector<1x1x1x16xf32>,
        %swap3A_804 = vector.shape_cast %swap3A_803 : vector<1x1x1x16xf32> to vector<16xf32>
        %swap3A_805 = vector.shape_cast %select_n3A_797 : vector<16xf32> to vector<1x1x1x16xf32>
        tpu.vector_store %arg9[%swap3A_799, %swap3A_800, %swap3A_801, %swap3A_802], %swap3A_805 {strides = array<i32>} : memref<8x4x8x128xf32, #tpu.memory_space<vmem>>, vector<1x1x1x16xf32>,
        %select_n3A_806 = arith.select %eq3A_457, %get3A_729, %get3A_735 : vector<16xi1>, vector<16xf32>
        %select_n3A_807 = arith.select %eq3A_454, %get3A_723, %select_n3A_806 : vector<16xi1>, vector<16xf32>
        %swap3A_808 = arith.constant 0 : i32
        %swap3A_809 = arith.index_cast %shift_right_logical3A_736 : i32 to index
        %swap3A_810 = arith.index_cast %swap3A_808 : i32 to index
        %swap3A_811 = arith.index_cast %and3A_737 : i32 to index
        %swap3A_812 = arith.constant 112 : index
        %swap3A_813 = tpu.vector_load %arg9[%swap3A_809, %swap3A_810, %swap3A_811, %swap3A_812] {strides = array<i32>} : memref<8x4x8x128xf32, #tpu.memory_space<vmem>>, vector<1x1x1x16xf32>,
        %swap3A_814 = vector.shape_cast %swap3A_813 : vector<1x1x1x16xf32> to vector<16xf32>
        %swap3A_815 = vector.shape_cast %select_n3A_807 : vector<16xf32> to vector<1x1x1x16xf32>
        tpu.vector_store %arg9[%swap3A_809, %swap3A_810, %swap3A_811, %swap3A_812], %swap3A_815 {strides = array<i32>} : memref<8x4x8x128xf32, #tpu.memory_space<vmem>>, vector<1x1x1x16xf32>,
      }
      %scan3A_463 = arith.constant 64 : i32
      %get3A_464 = arith.constant 128 : index
      %get3A_465 = tpu.vector_load %arg7[%get3A_464] {strides = array<i32>} : memref<512xi32, #tpu.memory_space<vmem>>, vector<16xi32>,
      %get3A_466 = vector.shape_cast %get3A_465 : vector<16xi32> to vector<16xi32>
      %eq3A_467 = arith.constant 0 : i32
      %eq3A_468 = vector.broadcast %eq3A_467 : i32 to vector<16xi32>
      %eq3A_469 = arith.cmpi eq, %get3A_466, %eq3A_468 : vector<16xi32>
      %eq3A_470 = arith.constant 1 : i32
      %eq3A_471 = vector.broadcast %eq3A_470 : i32 to vector<16xi32>
      %eq3A_472 = arith.cmpi eq, %get3A_466, %eq3A_471 : vector<16xi32>
      %get3A_473 = arith.constant 144 : index
      %get3A_474 = tpu.vector_load %arg7[%get3A_473] {strides = array<i32>} : memref<512xi32, #tpu.memory_space<vmem>>, vector<16xi32>,
      %get3A_475 = vector.shape_cast %get3A_474 : vector<16xi32> to vector<16xi32>
      %eq3A_476 = arith.constant 0 : i32
      %eq3A_477 = vector.broadcast %eq3A_476 : i32 to vector<16xi32>
      %eq3A_478 = arith.cmpi eq, %get3A_475, %eq3A_477 : vector<16xi32>
      %eq3A_479 = arith.constant 1 : i32
      %eq3A_480 = vector.broadcast %eq3A_479 : i32 to vector<16xi32>
      %eq3A_481 = arith.cmpi eq, %get3A_475, %eq3A_480 : vector<16xi32>
      %get3A_482 = arith.constant 160 : index
      %get3A_483 = tpu.vector_load %arg7[%get3A_482] {strides = array<i32>} : memref<512xi32, #tpu.memory_space<vmem>>, vector<16xi32>,
      %get3A_484 = vector.shape_cast %get3A_483 : vector<16xi32> to vector<16xi32>
      %eq3A_485 = arith.constant 0 : i32
      %eq3A_486 = vector.broadcast %eq3A_485 : i32 to vector<16xi32>
      %eq3A_487 = arith.cmpi eq, %get3A_484, %eq3A_486 : vector<16xi32>
      %eq3A_488 = arith.constant 1 : i32
      %eq3A_489 = vector.broadcast %eq3A_488 : i32 to vector<16xi32>
      %eq3A_490 = arith.cmpi eq, %get3A_484, %eq3A_489 : vector<16xi32>
      %get3A_491 = arith.constant 176 : index
      %get3A_492 = tpu.vector_load %arg7[%get3A_491] {strides = array<i32>} : memref<512xi32, #tpu.memory_space<vmem>>, vector<16xi32>,
      %get3A_493 = vector.shape_cast %get3A_492 : vector<16xi32> to vector<16xi32>
      %eq3A_494 = arith.constant 0 : i32
      %eq3A_495 = vector.broadcast %eq3A_494 : i32 to vector<16xi32>
      %eq3A_496 = arith.cmpi eq, %get3A_493, %eq3A_495 : vector<16xi32>
      %eq3A_497 = arith.constant 1 : i32
      %eq3A_498 = vector.broadcast %eq3A_497 : i32 to vector<16xi32>
      %eq3A_499 = arith.cmpi eq, %get3A_493, %eq3A_498 : vector<16xi32>
      %get3A_500 = arith.constant 192 : index
      %get3A_501 = tpu.vector_load %arg7[%get3A_500] {strides = array<i32>} : memref<512xi32, #tpu.memory_space<vmem>>, vector<16xi32>,
      %get3A_502 = vector.shape_cast %get3A_501 : vector<16xi32> to vector<16xi32>
      %eq3A_503 = arith.constant 0 : i32
      %eq3A_504 = vector.broadcast %eq3A_503 : i32 to vector<16xi32>
      %eq3A_505 = arith.cmpi eq, %get3A_502, %eq3A_504 : vector<16xi32>
      %eq3A_506 = arith.constant 1 : i32
      %eq3A_507 = vector.broadcast %eq3A_506 : i32 to vector<16xi32>
      %eq3A_508 = arith.cmpi eq, %get3A_502, %eq3A_507 : vector<16xi32>
      %get3A_509 = arith.constant 208 : index
      %get3A_510 = tpu.vector_load %arg7[%get3A_509] {strides = array<i32>} : memref<512xi32, #tpu.memory_space<vmem>>, vector<16xi32>,
      %get3A_511 = vector.shape_cast %get3A_510 : vector<16xi32> to vector<16xi32>
      %eq3A_512 = arith.constant 0 : i32
      %eq3A_513 = vector.broadcast %eq3A_512 : i32 to vector<16xi32>
      %eq3A_514 = arith.cmpi eq, %get3A_511, %eq3A_513 : vector<16xi32>
      %eq3A_515 = arith.constant 1 : i32
      %eq3A_516 = vector.broadcast %eq3A_515 : i32 to vector<16xi32>
      %eq3A_517 = arith.cmpi eq, %get3A_511, %eq3A_516 : vector<16xi32>
      %get3A_518 = arith.constant 224 : index
      %get3A_519 = tpu.vector_load %arg7[%get3A_518] {strides = array<i32>} : memref<512xi32, #tpu.memory_space<vmem>>, vector<16xi32>,
      %get3A_520 = vector.shape_cast %get3A_519 : vector<16xi32> to vector<16xi32>
      %eq3A_521 = arith.constant 0 : i32
      %eq3A_522 = vector.broadcast %eq3A_521 : i32 to vector<16xi32>
      %eq3A_523 = arith.cmpi eq, %get3A_520, %eq3A_522 : vector<16xi32>
      %eq3A_524 = arith.constant 1 : i32
      %eq3A_525 = vector.broadcast %eq3A_524 : i32 to vector<16xi32>
      %eq3A_526 = arith.cmpi eq, %get3A_520, %eq3A_525 : vector<16xi32>
      %get3A_527 = arith.constant 240 : index
      %get3A_528 = tpu.vector_load %arg7[%get3A_527] {strides = array<i32>} : memref<512xi32, #tpu.memory_space<vmem>>, vector<16xi32>,
      %get3A_529 = vector.shape_cast %get3A_528 : vector<16xi32> to vector<16xi32>
      %eq3A_530 = arith.constant 0 : i32
      %eq3A_531 = vector.broadcast %eq3A_530 : i32 to vector<16xi32>
      %eq3A_532 = arith.cmpi eq, %get3A_529, %eq3A_531 : vector<16xi32>
      %eq3A_533 = arith.constant 1 : i32
      %eq3A_534 = vector.broadcast %eq3A_533 : i32 to vector<16xi32>
      %eq3A_535 = arith.cmpi eq, %get3A_529, %eq3A_534 : vector<16xi32>
      %scan3A_536 = arith.constant 0 : i32
      %scan3A_537 = arith.constant 0 : i32
      %scan3A_538 = arith.constant 64 : i32
      %scan3A_539 = arith.addi %scan3A_537, %scan3A_538 : i32
      %scan3A_540 = arith.constant 1 : i32
      scf.for %scan3A_717 = %scan3A_537 to %scan3A_539 step %scan3A_540  : i32 {
        %get3A_718 = arith.constant 0 : i32
        %get3A_719 = arith.index_cast %get3A_718 : i32 to index
        %get3A_720 = arith.index_cast %scan3A_717 : i32 to index
        %get3A_721 = arith.constant 0 : index
        %get3A_722 = tpu.vector_load %arg5[%get3A_719, %get3A_720, %get3A_721] {strides = array<i32>} : memref<3x64x16xf32, #tpu.memory_space<vmem>>, vector<1x1x16xf32>,
        %get3A_723 = vector.shape_cast %get3A_722 : vector<1x1x16xf32> to vector<16xf32>
        %get3A_724 = arith.constant 1 : i32
        %get3A_725 = arith.index_cast %get3A_724 : i32 to index
        %get3A_726 = arith.index_cast %scan3A_717 : i32 to index
        %get3A_727 = arith.constant 0 : index
        %get3A_728 = tpu.vector_load %arg5[%get3A_725, %get3A_726, %get3A_727] {strides = array<i32>} : memref<3x64x16xf32, #tpu.memory_space<vmem>>, vector<1x1x16xf32>,
        %get3A_729 = vector.shape_cast %get3A_728 : vector<1x1x16xf32> to vector<16xf32>
        %get3A_730 = arith.constant 2 : i32
        %get3A_731 = arith.index_cast %get3A_730 : i32 to index
        %get3A_732 = arith.index_cast %scan3A_717 : i32 to index
        %get3A_733 = arith.constant 0 : index
        %get3A_734 = tpu.vector_load %arg5[%get3A_731, %get3A_732, %get3A_733] {strides = array<i32>} : memref<3x64x16xf32, #tpu.memory_space<vmem>>, vector<1x1x16xf32>,
        %get3A_735 = vector.shape_cast %get3A_734 : vector<1x1x16xf32> to vector<16xf32>
        %shift_right_logical3A = arith.constant 3 : i32
        %shift_right_logical3A_736 = arith.shrui %scan3A_717, %shift_right_logical3A : i32
        %and3A = arith.constant 7 : i32
        %and3A_737 = arith.andi %scan3A_717, %and3A : i32
        %select_n3A = arith.select %eq3A_472, %get3A_729, %get3A_735 : vector<16xi1>, vector<16xf32>
        %select_n3A_738 = arith.select %eq3A_469, %get3A_723, %select_n3A : vector<16xi1>, vector<16xf32>
        %swap3A = arith.constant 1 : i32
        %swap3A_739 = arith.index_cast %shift_right_logical3A_736 : i32 to index
        %swap3A_740 = arith.index_cast %swap3A : i32 to index
        %swap3A_741 = arith.index_cast %and3A_737 : i32 to index
        %swap3A_742 = arith.constant 0 : index
        %swap3A_743 = tpu.vector_load %arg9[%swap3A_739, %swap3A_740, %swap3A_741, %swap3A_742] {strides = array<i32>} : memref<8x4x8x128xf32, #tpu.memory_space<vmem>>, vector<1x1x1x16xf32>,
        %swap3A_744 = vector.shape_cast %swap3A_743 : vector<1x1x1x16xf32> to vector<16xf32>
        %swap3A_745 = vector.shape_cast %select_n3A_738 : vector<16xf32> to vector<1x1x1x16xf32>
        tpu.vector_store %arg9[%swap3A_739, %swap3A_740, %swap3A_741, %swap3A_742], %swap3A_745 {strides = array<i32>} : memref<8x4x8x128xf32, #tpu.memory_space<vmem>>, vector<1x1x1x16xf32>,
        %select_n3A_746 = arith.select %eq3A_481, %get3A_729, %get3A_735 : vector<16xi1>, vector<16xf32>
        %select_n3A_747 = arith.select %eq3A_478, %get3A_723, %select_n3A_746 : vector<16xi1>, vector<16xf32>
        %swap3A_748 = arith.constant 1 : i32
        %swap3A_749 = arith.index_cast %shift_right_logical3A_736 : i32 to index
        %swap3A_750 = arith.index_cast %swap3A_748 : i32 to index
        %swap3A_751 = arith.index_cast %and3A_737 : i32 to index
        %swap3A_752 = arith.constant 16 : index
        %swap3A_753 = tpu.vector_load %arg9[%swap3A_749, %swap3A_750, %swap3A_751, %swap3A_752] {strides = array<i32>} : memref<8x4x8x128xf32, #tpu.memory_space<vmem>>, vector<1x1x1x16xf32>,
        %swap3A_754 = vector.shape_cast %swap3A_753 : vector<1x1x1x16xf32> to vector<16xf32>
        %swap3A_755 = vector.shape_cast %select_n3A_747 : vector<16xf32> to vector<1x1x1x16xf32>
        tpu.vector_store %arg9[%swap3A_749, %swap3A_750, %swap3A_751, %swap3A_752], %swap3A_755 {strides = array<i32>} : memref<8x4x8x128xf32, #tpu.memory_space<vmem>>, vector<1x1x1x16xf32>,
        %select_n3A_756 = arith.select %eq3A_490, %get3A_729, %get3A_735 : vector<16xi1>, vector<16xf32>
        %select_n3A_757 = arith.select %eq3A_487, %get3A_723, %select_n3A_756 : vector<16xi1>, vector<16xf32>
        %swap3A_758 = arith.constant 1 : i32
        %swap3A_759 = arith.index_cast %shift_right_logical3A_736 : i32 to index
        %swap3A_760 = arith.index_cast %swap3A_758 : i32 to index
        %swap3A_761 = arith.index_cast %and3A_737 : i32 to index
        %swap3A_762 = arith.constant 32 : index
        %swap3A_763 = tpu.vector_load %arg9[%swap3A_759, %swap3A_760, %swap3A_761, %swap3A_762] {strides = array<i32>} : memref<8x4x8x128xf32, #tpu.memory_space<vmem>>, vector<1x1x1x16xf32>,
        %swap3A_764 = vector.shape_cast %swap3A_763 : vector<1x1x1x16xf32> to vector<16xf32>
        %swap3A_765 = vector.shape_cast %select_n3A_757 : vector<16xf32> to vector<1x1x1x16xf32>
        tpu.vector_store %arg9[%swap3A_759, %swap3A_760, %swap3A_761, %swap3A_762], %swap3A_765 {strides = array<i32>} : memref<8x4x8x128xf32, #tpu.memory_space<vmem>>, vector<1x1x1x16xf32>,
        %select_n3A_766 = arith.select %eq3A_499, %get3A_729, %get3A_735 : vector<16xi1>, vector<16xf32>
        %select_n3A_767 = arith.select %eq3A_496, %get3A_723, %select_n3A_766 : vector<16xi1>, vector<16xf32>
        %swap3A_768 = arith.constant 1 : i32
        %swap3A_769 = arith.index_cast %shift_right_logical3A_736 : i32 to index
        %swap3A_770 = arith.index_cast %swap3A_768 : i32 to index
        %swap3A_771 = arith.index_cast %and3A_737 : i32 to index
        %swap3A_772 = arith.constant 48 : index
        %swap3A_773 = tpu.vector_load %arg9[%swap3A_769, %swap3A_770, %swap3A_771, %swap3A_772] {strides = array<i32>} : memref<8x4x8x128xf32, #tpu.memory_space<vmem>>, vector<1x1x1x16xf32>,
        %swap3A_774 = vector.shape_cast %swap3A_773 : vector<1x1x1x16xf32> to vector<16xf32>
        %swap3A_775 = vector.shape_cast %select_n3A_767 : vector<16xf32> to vector<1x1x1x16xf32>
        tpu.vector_store %arg9[%swap3A_769, %swap3A_770, %swap3A_771, %swap3A_772], %swap3A_775 {strides = array<i32>} : memref<8x4x8x128xf32, #tpu.memory_space<vmem>>, vector<1x1x1x16xf32>,
        %select_n3A_776 = arith.select %eq3A_508, %get3A_729, %get3A_735 : vector<16xi1>, vector<16xf32>
        %select_n3A_777 = arith.select %eq3A_505, %get3A_723, %select_n3A_776 : vector<16xi1>, vector<16xf32>
        %swap3A_778 = arith.constant 1 : i32
        %swap3A_779 = arith.index_cast %shift_right_logical3A_736 : i32 to index
        %swap3A_780 = arith.index_cast %swap3A_778 : i32 to index
        %swap3A_781 = arith.index_cast %and3A_737 : i32 to index
        %swap3A_782 = arith.constant 64 : index
        %swap3A_783 = tpu.vector_load %arg9[%swap3A_779, %swap3A_780, %swap3A_781, %swap3A_782] {strides = array<i32>} : memref<8x4x8x128xf32, #tpu.memory_space<vmem>>, vector<1x1x1x16xf32>,
        %swap3A_784 = vector.shape_cast %swap3A_783 : vector<1x1x1x16xf32> to vector<16xf32>
        %swap3A_785 = vector.shape_cast %select_n3A_777 : vector<16xf32> to vector<1x1x1x16xf32>
        tpu.vector_store %arg9[%swap3A_779, %swap3A_780, %swap3A_781, %swap3A_782], %swap3A_785 {strides = array<i32>} : memref<8x4x8x128xf32, #tpu.memory_space<vmem>>, vector<1x1x1x16xf32>,
        %select_n3A_786 = arith.select %eq3A_517, %get3A_729, %get3A_735 : vector<16xi1>, vector<16xf32>
        %select_n3A_787 = arith.select %eq3A_514, %get3A_723, %select_n3A_786 : vector<16xi1>, vector<16xf32>
        %swap3A_788 = arith.constant 1 : i32
        %swap3A_789 = arith.index_cast %shift_right_logical3A_736 : i32 to index
        %swap3A_790 = arith.index_cast %swap3A_788 : i32 to index
        %swap3A_791 = arith.index_cast %and3A_737 : i32 to index
        %swap3A_792 = arith.constant 80 : index
        %swap3A_793 = tpu.vector_load %arg9[%swap3A_789, %swap3A_790, %swap3A_791, %swap3A_792] {strides = array<i32>} : memref<8x4x8x128xf32, #tpu.memory_space<vmem>>, vector<1x1x1x16xf32>,
        %swap3A_794 = vector.shape_cast %swap3A_793 : vector<1x1x1x16xf32> to vector<16xf32>
        %swap3A_795 = vector.shape_cast %select_n3A_787 : vector<16xf32> to vector<1x1x1x16xf32>
        tpu.vector_store %arg9[%swap3A_789, %swap3A_790, %swap3A_791, %swap3A_792], %swap3A_795 {strides = array<i32>} : memref<8x4x8x128xf32, #tpu.memory_space<vmem>>, vector<1x1x1x16xf32>,
        %select_n3A_796 = arith.select %eq3A_526, %get3A_729, %get3A_735 : vector<16xi1>, vector<16xf32>
        %select_n3A_797 = arith.select %eq3A_523, %get3A_723, %select_n3A_796 : vector<16xi1>, vector<16xf32>
        %swap3A_798 = arith.constant 1 : i32
        %swap3A_799 = arith.index_cast %shift_right_logical3A_736 : i32 to index
        %swap3A_800 = arith.index_cast %swap3A_798 : i32 to index
        %swap3A_801 = arith.index_cast %and3A_737 : i32 to index
        %swap3A_802 = arith.constant 96 : index
        %swap3A_803 = tpu.vector_load %arg9[%swap3A_799, %swap3A_800, %swap3A_801, %swap3A_802] {strides = array<i32>} : memref<8x4x8x128xf32, #tpu.memory_space<vmem>>, vector<1x1x1x16xf32>,
        %swap3A_804 = vector.shape_cast %swap3A_803 : vector<1x1x1x16xf32> to vector<16xf32>
        %swap3A_805 = vector.shape_cast %select_n3A_797 : vector<16xf32> to vector<1x1x1x16xf32>
        tpu.vector_store %arg9[%swap3A_799, %swap3A_800, %swap3A_801, %swap3A_802], %swap3A_805 {strides = array<i32>} : memref<8x4x8x128xf32, #tpu.memory_space<vmem>>, vector<1x1x1x16xf32>,
        %select_n3A_806 = arith.select %eq3A_535, %get3A_729, %get3A_735 : vector<16xi1>, vector<16xf32>
        %select_n3A_807 = arith.select %eq3A_532, %get3A_723, %select_n3A_806 : vector<16xi1>, vector<16xf32>
        %swap3A_808 = arith.constant 1 : i32
        %swap3A_809 = arith.index_cast %shift_right_logical3A_736 : i32 to index
        %swap3A_810 = arith.index_cast %swap3A_808 : i32 to index
        %swap3A_811 = arith.index_cast %and3A_737 : i32 to index
        %swap3A_812 = arith.constant 112 : index
        %swap3A_813 = tpu.vector_load %arg9[%swap3A_809, %swap3A_810, %swap3A_811, %swap3A_812] {strides = array<i32>} : memref<8x4x8x128xf32, #tpu.memory_space<vmem>>, vector<1x1x1x16xf32>,
        %swap3A_814 = vector.shape_cast %swap3A_813 : vector<1x1x1x16xf32> to vector<16xf32>
        %swap3A_815 = vector.shape_cast %select_n3A_807 : vector<16xf32> to vector<1x1x1x16xf32>
        tpu.vector_store %arg9[%swap3A_809, %swap3A_810, %swap3A_811, %swap3A_812], %swap3A_815 {strides = array<i32>} : memref<8x4x8x128xf32, #tpu.memory_space<vmem>>, vector<1x1x1x16xf32>,
      }
      %scan3A_541 = arith.constant 64 : i32
      %get3A_542 = arith.constant 256 : index
      %get3A_543 = tpu.vector_load %arg7[%get3A_542] {strides = array<i32>} : memref<512xi32, #tpu.memory_space<vmem>>, vector<16xi32>,
      %get3A_544 = vector.shape_cast %get3A_543 : vector<16xi32> to vector<16xi32>
      %eq3A_545 = arith.constant 0 : i32
      %eq3A_546 = vector.broadcast %eq3A_545 : i32 to vector<16xi32>
      %eq3A_547 = arith.cmpi eq, %get3A_544, %eq3A_546 : vector<16xi32>
      %eq3A_548 = arith.constant 1 : i32
      %eq3A_549 = vector.broadcast %eq3A_548 : i32 to vector<16xi32>
      %eq3A_550 = arith.cmpi eq, %get3A_544, %eq3A_549 : vector<16xi32>
      %get3A_551 = arith.constant 272 : index
      %get3A_552 = tpu.vector_load %arg7[%get3A_551] {strides = array<i32>} : memref<512xi32, #tpu.memory_space<vmem>>, vector<16xi32>,
      %get3A_553 = vector.shape_cast %get3A_552 : vector<16xi32> to vector<16xi32>
      %eq3A_554 = arith.constant 0 : i32
      %eq3A_555 = vector.broadcast %eq3A_554 : i32 to vector<16xi32>
      %eq3A_556 = arith.cmpi eq, %get3A_553, %eq3A_555 : vector<16xi32>
      %eq3A_557 = arith.constant 1 : i32
      %eq3A_558 = vector.broadcast %eq3A_557 : i32 to vector<16xi32>
      %eq3A_559 = arith.cmpi eq, %get3A_553, %eq3A_558 : vector<16xi32>
      %get3A_560 = arith.constant 288 : index
      %get3A_561 = tpu.vector_load %arg7[%get3A_560] {strides = array<i32>} : memref<512xi32, #tpu.memory_space<vmem>>, vector<16xi32>,
      %get3A_562 = vector.shape_cast %get3A_561 : vector<16xi32> to vector<16xi32>
      %eq3A_563 = arith.constant 0 : i32
      %eq3A_564 = vector.broadcast %eq3A_563 : i32 to vector<16xi32>
      %eq3A_565 = arith.cmpi eq, %get3A_562, %eq3A_564 : vector<16xi32>
      %eq3A_566 = arith.constant 1 : i32
      %eq3A_567 = vector.broadcast %eq3A_566 : i32 to vector<16xi32>
      %eq3A_568 = arith.cmpi eq, %get3A_562, %eq3A_567 : vector<16xi32>
      %get3A_569 = arith.constant 304 : index
      %get3A_570 = tpu.vector_load %arg7[%get3A_569] {strides = array<i32>} : memref<512xi32, #tpu.memory_space<vmem>>, vector<16xi32>,
      %get3A_571 = vector.shape_cast %get3A_570 : vector<16xi32> to vector<16xi32>
      %eq3A_572 = arith.constant 0 : i32
      %eq3A_573 = vector.broadcast %eq3A_572 : i32 to vector<16xi32>
      %eq3A_574 = arith.cmpi eq, %get3A_571, %eq3A_573 : vector<16xi32>
      %eq3A_575 = arith.constant 1 : i32
      %eq3A_576 = vector.broadcast %eq3A_575 : i32 to vector<16xi32>
      %eq3A_577 = arith.cmpi eq, %get3A_571, %eq3A_576 : vector<16xi32>
      %get3A_578 = arith.constant 320 : index
      %get3A_579 = tpu.vector_load %arg7[%get3A_578] {strides = array<i32>} : memref<512xi32, #tpu.memory_space<vmem>>, vector<16xi32>,
      %get3A_580 = vector.shape_cast %get3A_579 : vector<16xi32> to vector<16xi32>
      %eq3A_581 = arith.constant 0 : i32
      %eq3A_582 = vector.broadcast %eq3A_581 : i32 to vector<16xi32>
      %eq3A_583 = arith.cmpi eq, %get3A_580, %eq3A_582 : vector<16xi32>
      %eq3A_584 = arith.constant 1 : i32
      %eq3A_585 = vector.broadcast %eq3A_584 : i32 to vector<16xi32>
      %eq3A_586 = arith.cmpi eq, %get3A_580, %eq3A_585 : vector<16xi32>
      %get3A_587 = arith.constant 336 : index
      %get3A_588 = tpu.vector_load %arg7[%get3A_587] {strides = array<i32>} : memref<512xi32, #tpu.memory_space<vmem>>, vector<16xi32>,
      %get3A_589 = vector.shape_cast %get3A_588 : vector<16xi32> to vector<16xi32>
      %eq3A_590 = arith.constant 0 : i32
      %eq3A_591 = vector.broadcast %eq3A_590 : i32 to vector<16xi32>
      %eq3A_592 = arith.cmpi eq, %get3A_589, %eq3A_591 : vector<16xi32>
      %eq3A_593 = arith.constant 1 : i32
      %eq3A_594 = vector.broadcast %eq3A_593 : i32 to vector<16xi32>
      %eq3A_595 = arith.cmpi eq, %get3A_589, %eq3A_594 : vector<16xi32>
      %get3A_596 = arith.constant 352 : index
      %get3A_597 = tpu.vector_load %arg7[%get3A_596] {strides = array<i32>} : memref<512xi32, #tpu.memory_space<vmem>>, vector<16xi32>,
      %get3A_598 = vector.shape_cast %get3A_597 : vector<16xi32> to vector<16xi32>
      %eq3A_599 = arith.constant 0 : i32
      %eq3A_600 = vector.broadcast %eq3A_599 : i32 to vector<16xi32>
      %eq3A_601 = arith.cmpi eq, %get3A_598, %eq3A_600 : vector<16xi32>
      %eq3A_602 = arith.constant 1 : i32
      %eq3A_603 = vector.broadcast %eq3A_602 : i32 to vector<16xi32>
      %eq3A_604 = arith.cmpi eq, %get3A_598, %eq3A_603 : vector<16xi32>
      %get3A_605 = arith.constant 368 : index
      %get3A_606 = tpu.vector_load %arg7[%get3A_605] {strides = array<i32>} : memref<512xi32, #tpu.memory_space<vmem>>, vector<16xi32>,
      %get3A_607 = vector.shape_cast %get3A_606 : vector<16xi32> to vector<16xi32>
      %eq3A_608 = arith.constant 0 : i32
      %eq3A_609 = vector.broadcast %eq3A_608 : i32 to vector<16xi32>
      %eq3A_610 = arith.cmpi eq, %get3A_607, %eq3A_609 : vector<16xi32>
      %eq3A_611 = arith.constant 1 : i32
      %eq3A_612 = vector.broadcast %eq3A_611 : i32 to vector<16xi32>
      %eq3A_613 = arith.cmpi eq, %get3A_607, %eq3A_612 : vector<16xi32>
      %scan3A_614 = arith.constant 0 : i32
      %scan3A_615 = arith.constant 0 : i32
      %scan3A_616 = arith.constant 64 : i32
      %scan3A_617 = arith.addi %scan3A_615, %scan3A_616 : i32
      %scan3A_618 = arith.constant 1 : i32
      scf.for %scan3A_717 = %scan3A_615 to %scan3A_617 step %scan3A_618  : i32 {
        %get3A_718 = arith.constant 0 : i32
        %get3A_719 = arith.index_cast %get3A_718 : i32 to index
        %get3A_720 = arith.index_cast %scan3A_717 : i32 to index
        %get3A_721 = arith.constant 0 : index
        %get3A_722 = tpu.vector_load %arg5[%get3A_719, %get3A_720, %get3A_721] {strides = array<i32>} : memref<3x64x16xf32, #tpu.memory_space<vmem>>, vector<1x1x16xf32>,
        %get3A_723 = vector.shape_cast %get3A_722 : vector<1x1x16xf32> to vector<16xf32>
        %get3A_724 = arith.constant 1 : i32
        %get3A_725 = arith.index_cast %get3A_724 : i32 to index
        %get3A_726 = arith.index_cast %scan3A_717 : i32 to index
        %get3A_727 = arith.constant 0 : index
        %get3A_728 = tpu.vector_load %arg5[%get3A_725, %get3A_726, %get3A_727] {strides = array<i32>} : memref<3x64x16xf32, #tpu.memory_space<vmem>>, vector<1x1x16xf32>,
        %get3A_729 = vector.shape_cast %get3A_728 : vector<1x1x16xf32> to vector<16xf32>
        %get3A_730 = arith.constant 2 : i32
        %get3A_731 = arith.index_cast %get3A_730 : i32 to index
        %get3A_732 = arith.index_cast %scan3A_717 : i32 to index
        %get3A_733 = arith.constant 0 : index
        %get3A_734 = tpu.vector_load %arg5[%get3A_731, %get3A_732, %get3A_733] {strides = array<i32>} : memref<3x64x16xf32, #tpu.memory_space<vmem>>, vector<1x1x16xf32>,
        %get3A_735 = vector.shape_cast %get3A_734 : vector<1x1x16xf32> to vector<16xf32>
        %shift_right_logical3A = arith.constant 3 : i32
        %shift_right_logical3A_736 = arith.shrui %scan3A_717, %shift_right_logical3A : i32
        %and3A = arith.constant 7 : i32
        %and3A_737 = arith.andi %scan3A_717, %and3A : i32
        %select_n3A = arith.select %eq3A_550, %get3A_729, %get3A_735 : vector<16xi1>, vector<16xf32>
        %select_n3A_738 = arith.select %eq3A_547, %get3A_723, %select_n3A : vector<16xi1>, vector<16xf32>
        %swap3A = arith.constant 2 : i32
        %swap3A_739 = arith.index_cast %shift_right_logical3A_736 : i32 to index
        %swap3A_740 = arith.index_cast %swap3A : i32 to index
        %swap3A_741 = arith.index_cast %and3A_737 : i32 to index
        %swap3A_742 = arith.constant 0 : index
        %swap3A_743 = tpu.vector_load %arg9[%swap3A_739, %swap3A_740, %swap3A_741, %swap3A_742] {strides = array<i32>} : memref<8x4x8x128xf32, #tpu.memory_space<vmem>>, vector<1x1x1x16xf32>,
        %swap3A_744 = vector.shape_cast %swap3A_743 : vector<1x1x1x16xf32> to vector<16xf32>
        %swap3A_745 = vector.shape_cast %select_n3A_738 : vector<16xf32> to vector<1x1x1x16xf32>
        tpu.vector_store %arg9[%swap3A_739, %swap3A_740, %swap3A_741, %swap3A_742], %swap3A_745 {strides = array<i32>} : memref<8x4x8x128xf32, #tpu.memory_space<vmem>>, vector<1x1x1x16xf32>,
        %select_n3A_746 = arith.select %eq3A_559, %get3A_729, %get3A_735 : vector<16xi1>, vector<16xf32>
        %select_n3A_747 = arith.select %eq3A_556, %get3A_723, %select_n3A_746 : vector<16xi1>, vector<16xf32>
        %swap3A_748 = arith.constant 2 : i32
        %swap3A_749 = arith.index_cast %shift_right_logical3A_736 : i32 to index
        %swap3A_750 = arith.index_cast %swap3A_748 : i32 to index
        %swap3A_751 = arith.index_cast %and3A_737 : i32 to index
        %swap3A_752 = arith.constant 16 : index
        %swap3A_753 = tpu.vector_load %arg9[%swap3A_749, %swap3A_750, %swap3A_751, %swap3A_752] {strides = array<i32>} : memref<8x4x8x128xf32, #tpu.memory_space<vmem>>, vector<1x1x1x16xf32>,
        %swap3A_754 = vector.shape_cast %swap3A_753 : vector<1x1x1x16xf32> to vector<16xf32>
        %swap3A_755 = vector.shape_cast %select_n3A_747 : vector<16xf32> to vector<1x1x1x16xf32>
        tpu.vector_store %arg9[%swap3A_749, %swap3A_750, %swap3A_751, %swap3A_752], %swap3A_755 {strides = array<i32>} : memref<8x4x8x128xf32, #tpu.memory_space<vmem>>, vector<1x1x1x16xf32>,
        %select_n3A_756 = arith.select %eq3A_568, %get3A_729, %get3A_735 : vector<16xi1>, vector<16xf32>
        %select_n3A_757 = arith.select %eq3A_565, %get3A_723, %select_n3A_756 : vector<16xi1>, vector<16xf32>
        %swap3A_758 = arith.constant 2 : i32
        %swap3A_759 = arith.index_cast %shift_right_logical3A_736 : i32 to index
        %swap3A_760 = arith.index_cast %swap3A_758 : i32 to index
        %swap3A_761 = arith.index_cast %and3A_737 : i32 to index
        %swap3A_762 = arith.constant 32 : index
        %swap3A_763 = tpu.vector_load %arg9[%swap3A_759, %swap3A_760, %swap3A_761, %swap3A_762] {strides = array<i32>} : memref<8x4x8x128xf32, #tpu.memory_space<vmem>>, vector<1x1x1x16xf32>,
        %swap3A_764 = vector.shape_cast %swap3A_763 : vector<1x1x1x16xf32> to vector<16xf32>
        %swap3A_765 = vector.shape_cast %select_n3A_757 : vector<16xf32> to vector<1x1x1x16xf32>
        tpu.vector_store %arg9[%swap3A_759, %swap3A_760, %swap3A_761, %swap3A_762], %swap3A_765 {strides = array<i32>} : memref<8x4x8x128xf32, #tpu.memory_space<vmem>>, vector<1x1x1x16xf32>,
        %select_n3A_766 = arith.select %eq3A_577, %get3A_729, %get3A_735 : vector<16xi1>, vector<16xf32>
        %select_n3A_767 = arith.select %eq3A_574, %get3A_723, %select_n3A_766 : vector<16xi1>, vector<16xf32>
        %swap3A_768 = arith.constant 2 : i32
        %swap3A_769 = arith.index_cast %shift_right_logical3A_736 : i32 to index
        %swap3A_770 = arith.index_cast %swap3A_768 : i32 to index
        %swap3A_771 = arith.index_cast %and3A_737 : i32 to index
        %swap3A_772 = arith.constant 48 : index
        %swap3A_773 = tpu.vector_load %arg9[%swap3A_769, %swap3A_770, %swap3A_771, %swap3A_772] {strides = array<i32>} : memref<8x4x8x128xf32, #tpu.memory_space<vmem>>, vector<1x1x1x16xf32>,
        %swap3A_774 = vector.shape_cast %swap3A_773 : vector<1x1x1x16xf32> to vector<16xf32>
        %swap3A_775 = vector.shape_cast %select_n3A_767 : vector<16xf32> to vector<1x1x1x16xf32>
        tpu.vector_store %arg9[%swap3A_769, %swap3A_770, %swap3A_771, %swap3A_772], %swap3A_775 {strides = array<i32>} : memref<8x4x8x128xf32, #tpu.memory_space<vmem>>, vector<1x1x1x16xf32>,
        %select_n3A_776 = arith.select %eq3A_586, %get3A_729, %get3A_735 : vector<16xi1>, vector<16xf32>
        %select_n3A_777 = arith.select %eq3A_583, %get3A_723, %select_n3A_776 : vector<16xi1>, vector<16xf32>
        %swap3A_778 = arith.constant 2 : i32
        %swap3A_779 = arith.index_cast %shift_right_logical3A_736 : i32 to index
        %swap3A_780 = arith.index_cast %swap3A_778 : i32 to index
        %swap3A_781 = arith.index_cast %and3A_737 : i32 to index
        %swap3A_782 = arith.constant 64 : index
        %swap3A_783 = tpu.vector_load %arg9[%swap3A_779, %swap3A_780, %swap3A_781, %swap3A_782] {strides = array<i32>} : memref<8x4x8x128xf32, #tpu.memory_space<vmem>>, vector<1x1x1x16xf32>,
        %swap3A_784 = vector.shape_cast %swap3A_783 : vector<1x1x1x16xf32> to vector<16xf32>
        %swap3A_785 = vector.shape_cast %select_n3A_777 : vector<16xf32> to vector<1x1x1x16xf32>
        tpu.vector_store %arg9[%swap3A_779, %swap3A_780, %swap3A_781, %swap3A_782], %swap3A_785 {strides = array<i32>} : memref<8x4x8x128xf32, #tpu.memory_space<vmem>>, vector<1x1x1x16xf32>,
        %select_n3A_786 = arith.select %eq3A_595, %get3A_729, %get3A_735 : vector<16xi1>, vector<16xf32>
        %select_n3A_787 = arith.select %eq3A_592, %get3A_723, %select_n3A_786 : vector<16xi1>, vector<16xf32>
        %swap3A_788 = arith.constant 2 : i32
        %swap3A_789 = arith.index_cast %shift_right_logical3A_736 : i32 to index
        %swap3A_790 = arith.index_cast %swap3A_788 : i32 to index
        %swap3A_791 = arith.index_cast %and3A_737 : i32 to index
        %swap3A_792 = arith.constant 80 : index
        %swap3A_793 = tpu.vector_load %arg9[%swap3A_789, %swap3A_790, %swap3A_791, %swap3A_792] {strides = array<i32>} : memref<8x4x8x128xf32, #tpu.memory_space<vmem>>, vector<1x1x1x16xf32>,
        %swap3A_794 = vector.shape_cast %swap3A_793 : vector<1x1x1x16xf32> to vector<16xf32>
        %swap3A_795 = vector.shape_cast %select_n3A_787 : vector<16xf32> to vector<1x1x1x16xf32>
        tpu.vector_store %arg9[%swap3A_789, %swap3A_790, %swap3A_791, %swap3A_792], %swap3A_795 {strides = array<i32>} : memref<8x4x8x128xf32, #tpu.memory_space<vmem>>, vector<1x1x1x16xf32>,
        %select_n3A_796 = arith.select %eq3A_604, %get3A_729, %get3A_735 : vector<16xi1>, vector<16xf32>
        %select_n3A_797 = arith.select %eq3A_601, %get3A_723, %select_n3A_796 : vector<16xi1>, vector<16xf32>
        %swap3A_798 = arith.constant 2 : i32
        %swap3A_799 = arith.index_cast %shift_right_logical3A_736 : i32 to index
        %swap3A_800 = arith.index_cast %swap3A_798 : i32 to index
        %swap3A_801 = arith.index_cast %and3A_737 : i32 to index
        %swap3A_802 = arith.constant 96 : index
        %swap3A_803 = tpu.vector_load %arg9[%swap3A_799, %swap3A_800, %swap3A_801, %swap3A_802] {strides = array<i32>} : memref<8x4x8x128xf32, #tpu.memory_space<vmem>>, vector<1x1x1x16xf32>,
        %swap3A_804 = vector.shape_cast %swap3A_803 : vector<1x1x1x16xf32> to vector<16xf32>
        %swap3A_805 = vector.shape_cast %select_n3A_797 : vector<16xf32> to vector<1x1x1x16xf32>
        tpu.vector_store %arg9[%swap3A_799, %swap3A_800, %swap3A_801, %swap3A_802], %swap3A_805 {strides = array<i32>} : memref<8x4x8x128xf32, #tpu.memory_space<vmem>>, vector<1x1x1x16xf32>,
        %select_n3A_806 = arith.select %eq3A_613, %get3A_729, %get3A_735 : vector<16xi1>, vector<16xf32>
        %select_n3A_807 = arith.select %eq3A_610, %get3A_723, %select_n3A_806 : vector<16xi1>, vector<16xf32>
        %swap3A_808 = arith.constant 2 : i32
        %swap3A_809 = arith.index_cast %shift_right_logical3A_736 : i32 to index
        %swap3A_810 = arith.index_cast %swap3A_808 : i32 to index
        %swap3A_811 = arith.index_cast %and3A_737 : i32 to index
        %swap3A_812 = arith.constant 112 : index
        %swap3A_813 = tpu.vector_load %arg9[%swap3A_809, %swap3A_810, %swap3A_811, %swap3A_812] {strides = array<i32>} : memref<8x4x8x128xf32, #tpu.memory_space<vmem>>, vector<1x1x1x16xf32>,
        %swap3A_814 = vector.shape_cast %swap3A_813 : vector<1x1x1x16xf32> to vector<16xf32>
        %swap3A_815 = vector.shape_cast %select_n3A_807 : vector<16xf32> to vector<1x1x1x16xf32>
        tpu.vector_store %arg9[%swap3A_809, %swap3A_810, %swap3A_811, %swap3A_812], %swap3A_815 {strides = array<i32>} : memref<8x4x8x128xf32, #tpu.memory_space<vmem>>, vector<1x1x1x16xf32>,
      }
      %scan3A_619 = arith.constant 64 : i32
      %get3A_620 = arith.constant 384 : index
      %get3A_621 = tpu.vector_load %arg7[%get3A_620] {strides = array<i32>} : memref<512xi32, #tpu.memory_space<vmem>>, vector<16xi32>,
      %get3A_622 = vector.shape_cast %get3A_621 : vector<16xi32> to vector<16xi32>
      %eq3A_623 = arith.constant 0 : i32
      %eq3A_624 = vector.broadcast %eq3A_623 : i32 to vector<16xi32>
      %eq3A_625 = arith.cmpi eq, %get3A_622, %eq3A_624 : vector<16xi32>
      %eq3A_626 = arith.constant 1 : i32
      %eq3A_627 = vector.broadcast %eq3A_626 : i32 to vector<16xi32>
      %eq3A_628 = arith.cmpi eq, %get3A_622, %eq3A_627 : vector<16xi32>
      %get3A_629 = arith.constant 400 : index
      %get3A_630 = tpu.vector_load %arg7[%get3A_629] {strides = array<i32>} : memref<512xi32, #tpu.memory_space<vmem>>, vector<16xi32>,
      %get3A_631 = vector.shape_cast %get3A_630 : vector<16xi32> to vector<16xi32>
      %eq3A_632 = arith.constant 0 : i32
      %eq3A_633 = vector.broadcast %eq3A_632 : i32 to vector<16xi32>
      %eq3A_634 = arith.cmpi eq, %get3A_631, %eq3A_633 : vector<16xi32>
      %eq3A_635 = arith.constant 1 : i32
      %eq3A_636 = vector.broadcast %eq3A_635 : i32 to vector<16xi32>
      %eq3A_637 = arith.cmpi eq, %get3A_631, %eq3A_636 : vector<16xi32>
      %get3A_638 = arith.constant 416 : index
      %get3A_639 = tpu.vector_load %arg7[%get3A_638] {strides = array<i32>} : memref<512xi32, #tpu.memory_space<vmem>>, vector<16xi32>,
      %get3A_640 = vector.shape_cast %get3A_639 : vector<16xi32> to vector<16xi32>
      %eq3A_641 = arith.constant 0 : i32
      %eq3A_642 = vector.broadcast %eq3A_641 : i32 to vector<16xi32>
      %eq3A_643 = arith.cmpi eq, %get3A_640, %eq3A_642 : vector<16xi32>
      %eq3A_644 = arith.constant 1 : i32
      %eq3A_645 = vector.broadcast %eq3A_644 : i32 to vector<16xi32>
      %eq3A_646 = arith.cmpi eq, %get3A_640, %eq3A_645 : vector<16xi32>
      %get3A_647 = arith.constant 432 : index
      %get3A_648 = tpu.vector_load %arg7[%get3A_647] {strides = array<i32>} : memref<512xi32, #tpu.memory_space<vmem>>, vector<16xi32>,
      %get3A_649 = vector.shape_cast %get3A_648 : vector<16xi32> to vector<16xi32>
      %eq3A_650 = arith.constant 0 : i32
      %eq3A_651 = vector.broadcast %eq3A_650 : i32 to vector<16xi32>
      %eq3A_652 = arith.cmpi eq, %get3A_649, %eq3A_651 : vector<16xi32>
      %eq3A_653 = arith.constant 1 : i32
      %eq3A_654 = vector.broadcast %eq3A_653 : i32 to vector<16xi32>
      %eq3A_655 = arith.cmpi eq, %get3A_649, %eq3A_654 : vector<16xi32>
      %get3A_656 = arith.constant 448 : index
      %get3A_657 = tpu.vector_load %arg7[%get3A_656] {strides = array<i32>} : memref<512xi32, #tpu.memory_space<vmem>>, vector<16xi32>,
      %get3A_658 = vector.shape_cast %get3A_657 : vector<16xi32> to vector<16xi32>
      %eq3A_659 = arith.constant 0 : i32
      %eq3A_660 = vector.broadcast %eq3A_659 : i32 to vector<16xi32>
      %eq3A_661 = arith.cmpi eq, %get3A_658, %eq3A_660 : vector<16xi32>
      %eq3A_662 = arith.constant 1 : i32
      %eq3A_663 = vector.broadcast %eq3A_662 : i32 to vector<16xi32>
      %eq3A_664 = arith.cmpi eq, %get3A_658, %eq3A_663 : vector<16xi32>
      %get3A_665 = arith.constant 464 : index
      %get3A_666 = tpu.vector_load %arg7[%get3A_665] {strides = array<i32>} : memref<512xi32, #tpu.memory_space<vmem>>, vector<16xi32>,
      %get3A_667 = vector.shape_cast %get3A_666 : vector<16xi32> to vector<16xi32>
      %eq3A_668 = arith.constant 0 : i32
      %eq3A_669 = vector.broadcast %eq3A_668 : i32 to vector<16xi32>
      %eq3A_670 = arith.cmpi eq, %get3A_667, %eq3A_669 : vector<16xi32>
      %eq3A_671 = arith.constant 1 : i32
      %eq3A_672 = vector.broadcast %eq3A_671 : i32 to vector<16xi32>
      %eq3A_673 = arith.cmpi eq, %get3A_667, %eq3A_672 : vector<16xi32>
      %get3A_674 = arith.constant 480 : index
      %get3A_675 = tpu.vector_load %arg7[%get3A_674] {strides = array<i32>} : memref<512xi32, #tpu.memory_space<vmem>>, vector<16xi32>,
      %get3A_676 = vector.shape_cast %get3A_675 : vector<16xi32> to vector<16xi32>
      %eq3A_677 = arith.constant 0 : i32
      %eq3A_678 = vector.broadcast %eq3A_677 : i32 to vector<16xi32>
      %eq3A_679 = arith.cmpi eq, %get3A_676, %eq3A_678 : vector<16xi32>
      %eq3A_680 = arith.constant 1 : i32
      %eq3A_681 = vector.broadcast %eq3A_680 : i32 to vector<16xi32>
      %eq3A_682 = arith.cmpi eq, %get3A_676, %eq3A_681 : vector<16xi32>
      %get3A_683 = arith.constant 496 : index
      %get3A_684 = tpu.vector_load %arg7[%get3A_683] {strides = array<i32>} : memref<512xi32, #tpu.memory_space<vmem>>, vector<16xi32>,
      %get3A_685 = vector.shape_cast %get3A_684 : vector<16xi32> to vector<16xi32>
      %eq3A_686 = arith.constant 0 : i32
      %eq3A_687 = vector.broadcast %eq3A_686 : i32 to vector<16xi32>
      %eq3A_688 = arith.cmpi eq, %get3A_685, %eq3A_687 : vector<16xi32>
      %eq3A_689 = arith.constant 1 : i32
      %eq3A_690 = vector.broadcast %eq3A_689 : i32 to vector<16xi32>
      %eq3A_691 = arith.cmpi eq, %get3A_685, %eq3A_690 : vector<16xi32>
      %scan3A_692 = arith.constant 0 : i32
      %scan3A_693 = arith.constant 0 : i32
      %scan3A_694 = arith.constant 64 : i32
      %scan3A_695 = arith.addi %scan3A_693, %scan3A_694 : i32
      %scan3A_696 = arith.constant 1 : i32
      scf.for %scan3A_717 = %scan3A_693 to %scan3A_695 step %scan3A_696  : i32 {
        %get3A_718 = arith.constant 0 : i32
        %get3A_719 = arith.index_cast %get3A_718 : i32 to index
        %get3A_720 = arith.index_cast %scan3A_717 : i32 to index
        %get3A_721 = arith.constant 0 : index
        %get3A_722 = tpu.vector_load %arg5[%get3A_719, %get3A_720, %get3A_721] {strides = array<i32>} : memref<3x64x16xf32, #tpu.memory_space<vmem>>, vector<1x1x16xf32>,
        %get3A_723 = vector.shape_cast %get3A_722 : vector<1x1x16xf32> to vector<16xf32>
        %get3A_724 = arith.constant 1 : i32
        %get3A_725 = arith.index_cast %get3A_724 : i32 to index
        %get3A_726 = arith.index_cast %scan3A_717 : i32 to index
        %get3A_727 = arith.constant 0 : index
        %get3A_728 = tpu.vector_load %arg5[%get3A_725, %get3A_726, %get3A_727] {strides = array<i32>} : memref<3x64x16xf32, #tpu.memory_space<vmem>>, vector<1x1x16xf32>,
        %get3A_729 = vector.shape_cast %get3A_728 : vector<1x1x16xf32> to vector<16xf32>
        %get3A_730 = arith.constant 2 : i32
        %get3A_731 = arith.index_cast %get3A_730 : i32 to index
        %get3A_732 = arith.index_cast %scan3A_717 : i32 to index
        %get3A_733 = arith.constant 0 : index
        %get3A_734 = tpu.vector_load %arg5[%get3A_731, %get3A_732, %get3A_733] {strides = array<i32>} : memref<3x64x16xf32, #tpu.memory_space<vmem>>, vector<1x1x16xf32>,
        %get3A_735 = vector.shape_cast %get3A_734 : vector<1x1x16xf32> to vector<16xf32>
        %shift_right_logical3A = arith.constant 3 : i32
        %shift_right_logical3A_736 = arith.shrui %scan3A_717, %shift_right_logical3A : i32
        %and3A = arith.constant 7 : i32
        %and3A_737 = arith.andi %scan3A_717, %and3A : i32
        %select_n3A = arith.select %eq3A_628, %get3A_729, %get3A_735 : vector<16xi1>, vector<16xf32>
        %select_n3A_738 = arith.select %eq3A_625, %get3A_723, %select_n3A : vector<16xi1>, vector<16xf32>
        %swap3A = arith.constant 3 : i32
        %swap3A_739 = arith.index_cast %shift_right_logical3A_736 : i32 to index
        %swap3A_740 = arith.index_cast %swap3A : i32 to index
        %swap3A_741 = arith.index_cast %and3A_737 : i32 to index
        %swap3A_742 = arith.constant 0 : index
        %swap3A_743 = tpu.vector_load %arg9[%swap3A_739, %swap3A_740, %swap3A_741, %swap3A_742] {strides = array<i32>} : memref<8x4x8x128xf32, #tpu.memory_space<vmem>>, vector<1x1x1x16xf32>,
        %swap3A_744 = vector.shape_cast %swap3A_743 : vector<1x1x1x16xf32> to vector<16xf32>
        %swap3A_745 = vector.shape_cast %select_n3A_738 : vector<16xf32> to vector<1x1x1x16xf32>
        tpu.vector_store %arg9[%swap3A_739, %swap3A_740, %swap3A_741, %swap3A_742], %swap3A_745 {strides = array<i32>} : memref<8x4x8x128xf32, #tpu.memory_space<vmem>>, vector<1x1x1x16xf32>,
        %select_n3A_746 = arith.select %eq3A_637, %get3A_729, %get3A_735 : vector<16xi1>, vector<16xf32>
        %select_n3A_747 = arith.select %eq3A_634, %get3A_723, %select_n3A_746 : vector<16xi1>, vector<16xf32>
        %swap3A_748 = arith.constant 3 : i32
        %swap3A_749 = arith.index_cast %shift_right_logical3A_736 : i32 to index
        %swap3A_750 = arith.index_cast %swap3A_748 : i32 to index
        %swap3A_751 = arith.index_cast %and3A_737 : i32 to index
        %swap3A_752 = arith.constant 16 : index
        %swap3A_753 = tpu.vector_load %arg9[%swap3A_749, %swap3A_750, %swap3A_751, %swap3A_752] {strides = array<i32>} : memref<8x4x8x128xf32, #tpu.memory_space<vmem>>, vector<1x1x1x16xf32>,
        %swap3A_754 = vector.shape_cast %swap3A_753 : vector<1x1x1x16xf32> to vector<16xf32>
        %swap3A_755 = vector.shape_cast %select_n3A_747 : vector<16xf32> to vector<1x1x1x16xf32>
        tpu.vector_store %arg9[%swap3A_749, %swap3A_750, %swap3A_751, %swap3A_752], %swap3A_755 {strides = array<i32>} : memref<8x4x8x128xf32, #tpu.memory_space<vmem>>, vector<1x1x1x16xf32>,
        %select_n3A_756 = arith.select %eq3A_646, %get3A_729, %get3A_735 : vector<16xi1>, vector<16xf32>
        %select_n3A_757 = arith.select %eq3A_643, %get3A_723, %select_n3A_756 : vector<16xi1>, vector<16xf32>
        %swap3A_758 = arith.constant 3 : i32
        %swap3A_759 = arith.index_cast %shift_right_logical3A_736 : i32 to index
        %swap3A_760 = arith.index_cast %swap3A_758 : i32 to index
        %swap3A_761 = arith.index_cast %and3A_737 : i32 to index
        %swap3A_762 = arith.constant 32 : index
        %swap3A_763 = tpu.vector_load %arg9[%swap3A_759, %swap3A_760, %swap3A_761, %swap3A_762] {strides = array<i32>} : memref<8x4x8x128xf32, #tpu.memory_space<vmem>>, vector<1x1x1x16xf32>,
        %swap3A_764 = vector.shape_cast %swap3A_763 : vector<1x1x1x16xf32> to vector<16xf32>
        %swap3A_765 = vector.shape_cast %select_n3A_757 : vector<16xf32> to vector<1x1x1x16xf32>
        tpu.vector_store %arg9[%swap3A_759, %swap3A_760, %swap3A_761, %swap3A_762], %swap3A_765 {strides = array<i32>} : memref<8x4x8x128xf32, #tpu.memory_space<vmem>>, vector<1x1x1x16xf32>,
        %select_n3A_766 = arith.select %eq3A_655, %get3A_729, %get3A_735 : vector<16xi1>, vector<16xf32>
        %select_n3A_767 = arith.select %eq3A_652, %get3A_723, %select_n3A_766 : vector<16xi1>, vector<16xf32>
        %swap3A_768 = arith.constant 3 : i32
        %swap3A_769 = arith.index_cast %shift_right_logical3A_736 : i32 to index
        %swap3A_770 = arith.index_cast %swap3A_768 : i32 to index
        %swap3A_771 = arith.index_cast %and3A_737 : i32 to index
        %swap3A_772 = arith.constant 48 : index
        %swap3A_773 = tpu.vector_load %arg9[%swap3A_769, %swap3A_770, %swap3A_771, %swap3A_772] {strides = array<i32>} : memref<8x4x8x128xf32, #tpu.memory_space<vmem>>, vector<1x1x1x16xf32>,
        %swap3A_774 = vector.shape_cast %swap3A_773 : vector<1x1x1x16xf32> to vector<16xf32>
        %swap3A_775 = vector.shape_cast %select_n3A_767 : vector<16xf32> to vector<1x1x1x16xf32>
        tpu.vector_store %arg9[%swap3A_769, %swap3A_770, %swap3A_771, %swap3A_772], %swap3A_775 {strides = array<i32>} : memref<8x4x8x128xf32, #tpu.memory_space<vmem>>, vector<1x1x1x16xf32>,
        %select_n3A_776 = arith.select %eq3A_664, %get3A_729, %get3A_735 : vector<16xi1>, vector<16xf32>
        %select_n3A_777 = arith.select %eq3A_661, %get3A_723, %select_n3A_776 : vector<16xi1>, vector<16xf32>
        %swap3A_778 = arith.constant 3 : i32
        %swap3A_779 = arith.index_cast %shift_right_logical3A_736 : i32 to index
        %swap3A_780 = arith.index_cast %swap3A_778 : i32 to index
        %swap3A_781 = arith.index_cast %and3A_737 : i32 to index
        %swap3A_782 = arith.constant 64 : index
        %swap3A_783 = tpu.vector_load %arg9[%swap3A_779, %swap3A_780, %swap3A_781, %swap3A_782] {strides = array<i32>} : memref<8x4x8x128xf32, #tpu.memory_space<vmem>>, vector<1x1x1x16xf32>,
        %swap3A_784 = vector.shape_cast %swap3A_783 : vector<1x1x1x16xf32> to vector<16xf32>
        %swap3A_785 = vector.shape_cast %select_n3A_777 : vector<16xf32> to vector<1x1x1x16xf32>
        tpu.vector_store %arg9[%swap3A_779, %swap3A_780, %swap3A_781, %swap3A_782], %swap3A_785 {strides = array<i32>} : memref<8x4x8x128xf32, #tpu.memory_space<vmem>>, vector<1x1x1x16xf32>,
        %select_n3A_786 = arith.select %eq3A_673, %get3A_729, %get3A_735 : vector<16xi1>, vector<16xf32>
        %select_n3A_787 = arith.select %eq3A_670, %get3A_723, %select_n3A_786 : vector<16xi1>, vector<16xf32>
        %swap3A_788 = arith.constant 3 : i32
        %swap3A_789 = arith.index_cast %shift_right_logical3A_736 : i32 to index
        %swap3A_790 = arith.index_cast %swap3A_788 : i32 to index
        %swap3A_791 = arith.index_cast %and3A_737 : i32 to index
        %swap3A_792 = arith.constant 80 : index
        %swap3A_793 = tpu.vector_load %arg9[%swap3A_789, %swap3A_790, %swap3A_791, %swap3A_792] {strides = array<i32>} : memref<8x4x8x128xf32, #tpu.memory_space<vmem>>, vector<1x1x1x16xf32>,
        %swap3A_794 = vector.shape_cast %swap3A_793 : vector<1x1x1x16xf32> to vector<16xf32>
        %swap3A_795 = vector.shape_cast %select_n3A_787 : vector<16xf32> to vector<1x1x1x16xf32>
        tpu.vector_store %arg9[%swap3A_789, %swap3A_790, %swap3A_791, %swap3A_792], %swap3A_795 {strides = array<i32>} : memref<8x4x8x128xf32, #tpu.memory_space<vmem>>, vector<1x1x1x16xf32>,
        %select_n3A_796 = arith.select %eq3A_682, %get3A_729, %get3A_735 : vector<16xi1>, vector<16xf32>
        %select_n3A_797 = arith.select %eq3A_679, %get3A_723, %select_n3A_796 : vector<16xi1>, vector<16xf32>
        %swap3A_798 = arith.constant 3 : i32
        %swap3A_799 = arith.index_cast %shift_right_logical3A_736 : i32 to index
        %swap3A_800 = arith.index_cast %swap3A_798 : i32 to index
        %swap3A_801 = arith.index_cast %and3A_737 : i32 to index
        %swap3A_802 = arith.constant 96 : index
        %swap3A_803 = tpu.vector_load %arg9[%swap3A_799, %swap3A_800, %swap3A_801, %swap3A_802] {strides = array<i32>} : memref<8x4x8x128xf32, #tpu.memory_space<vmem>>, vector<1x1x1x16xf32>,
        %swap3A_804 = vector.shape_cast %swap3A_803 : vector<1x1x1x16xf32> to vector<16xf32>
        %swap3A_805 = vector.shape_cast %select_n3A_797 : vector<16xf32> to vector<1x1x1x16xf32>
        tpu.vector_store %arg9[%swap3A_799, %swap3A_800, %swap3A_801, %swap3A_802], %swap3A_805 {strides = array<i32>} : memref<8x4x8x128xf32, #tpu.memory_space<vmem>>, vector<1x1x1x16xf32>,
        %select_n3A_806 = arith.select %eq3A_691, %get3A_729, %get3A_735 : vector<16xi1>, vector<16xf32>
        %select_n3A_807 = arith.select %eq3A_688, %get3A_723, %select_n3A_806 : vector<16xi1>, vector<16xf32>
        %swap3A_808 = arith.constant 3 : i32
        %swap3A_809 = arith.index_cast %shift_right_logical3A_736 : i32 to index
        %swap3A_810 = arith.index_cast %swap3A_808 : i32 to index
        %swap3A_811 = arith.index_cast %and3A_737 : i32 to index
        %swap3A_812 = arith.constant 112 : index
        %swap3A_813 = tpu.vector_load %arg9[%swap3A_809, %swap3A_810, %swap3A_811, %swap3A_812] {strides = array<i32>} : memref<8x4x8x128xf32, #tpu.memory_space<vmem>>, vector<1x1x1x16xf32>,
        %swap3A_814 = vector.shape_cast %swap3A_813 : vector<1x1x1x16xf32> to vector<16xf32>
        %swap3A_815 = vector.shape_cast %select_n3A_807 : vector<16xf32> to vector<1x1x1x16xf32>
        tpu.vector_store %arg9[%swap3A_809, %swap3A_810, %swap3A_811, %swap3A_812], %swap3A_815 {strides = array<i32>} : memref<8x4x8x128xf32, #tpu.memory_space<vmem>>, vector<1x1x1x16xf32>,
      }
      %scan3A_697 = arith.constant 64 : i32
      %add3A_698 = arith.constant 1 : i32
      %add3A_699 = arith.addi %mul3A_42, %add3A_698 : i32
      %dma_start3A_700 = arith.constant 0 : i32
      %dma_start3A_701 = arith.constant 0 : i32
      %dma_start3A_702 = arith.constant 0 : i32
      %dma_start3A_703 = tpu.memref_slice %arg4[%add3A_699, %dma_start3A_700, %mul3A_4, %dma_start3A_701, %dma_start3A_702] : memref<200x8x128x8x128xf32, #tpu.memory_space<hbm>> -> memref<1x8x4x8x128xf32, #tpu.memory_space<hbm>>
      %dma_start3A_704 = tpu.memref_squeeze %dma_start3A_703 : memref<1x8x4x8x128xf32, #tpu.memory_space<hbm>> -> memref<8x4x8x128xf32, #tpu.memory_space<hbm>>
      %dma_start3A_705 = arith.constant 0 : i32
      %dma_start3A_706 = arith.constant 0 : i32
      %dma_start3A_707 = arith.constant 0 : i32
      %dma_start3A_708 = tpu.memref_slice %arg4[%add3A_699, %dma_start3A_705, %mul3A_4, %dma_start3A_706, %dma_start3A_707] : memref<200x8x128x8x128xf32, #tpu.memory_space<hbm>> -> memref<1x8x4x8x128xf32, #tpu.memory_space<hbm>>
      %dma_start3A_709 = tpu.memref_squeeze %dma_start3A_708 : memref<1x8x4x8x128xf32, #tpu.memory_space<hbm>> -> memref<8x4x8x128xf32, #tpu.memory_space<hbm>>
      tpu.enqueue_dma source(%arg9 : memref<8x4x8x128xf32, #tpu.memory_space<vmem>>) target(%dma_start3A_709 : memref<8x4x8x128xf32, #tpu.memory_space<hbm>>) target_semaphore(%arg13 : memref<!tpu.dma_semaphore, #tpu.memory_space<semaphore_mem>>)
      %add3A_710 = arith.constant 3 : i32
      %add3A_711 = arith.addi %mul3A_42, %add3A_710 : i32
      %lt3A_712 = arith.constant 200 : i32
      %lt3A_713 = arith.cmpi slt, %add3A_711, %lt3A_712 : i32
      %convert_element_type3A_714 = arith.extui %lt3A_713 : i1 to i32
      %cond3A_715 = arith.constant 0 : i32
      %cond3A_716 = arith.cmpi ne, %convert_element_type3A_714, %cond3A_715 : i32
      scf.if %cond3A_716 {
        %add3A_717 = arith.constant 3 : i32
        %add3A_718 = arith.addi %mul3A_42, %add3A_717 : i32
        %dma_start3A_719 = tpu.memref_slice %arg3[%add3A_718, %mul3A_2] : memref<200x16384xi32, #tpu.memory_space<hbm>> -> memref<1x512xi32, #tpu.memory_space<hbm>>
        %dma_start3A_720 = tpu.memref_squeeze %dma_start3A_719 : memref<1x512xi32, #tpu.memory_space<hbm>> -> memref<512xi32, #tpu.memory_space<hbm>>
        %dma_start3A_721 = tpu.memref_slice %arg3[%add3A_718, %mul3A_2] : memref<200x16384xi32, #tpu.memory_space<hbm>> -> memref<1x512xi32, #tpu.memory_space<hbm>>
        %dma_start3A_722 = tpu.memref_squeeze %dma_start3A_721 : memref<1x512xi32, #tpu.memory_space<hbm>> -> memref<512xi32, #tpu.memory_space<hbm>>
        tpu.enqueue_dma source(%dma_start3A_722 : memref<512xi32, #tpu.memory_space<hbm>>) target(%arg7 : memref<512xi32, #tpu.memory_space<vmem>>) target_semaphore(%arg11 : memref<!tpu.dma_semaphore, #tpu.memory_space<semaphore_mem>>)
      } else {
      }
    }
    %scan3A_18 = arith.constant 100 : i32
    %dma_wait3A = arith.constant 198 : i32
    %dma_wait3A_19 = arith.constant 0 : i32
    %dma_wait3A_20 = arith.constant 0 : i32
    %dma_wait3A_21 = arith.constant 0 : i32
    %dma_wait3A_22 = tpu.memref_slice %arg4[%dma_wait3A, %dma_wait3A_19, %mul3A_4, %dma_wait3A_20, %dma_wait3A_21] : memref<200x8x128x8x128xf32, #tpu.memory_space<hbm>> -> memref<1x8x4x8x128xf32, #tpu.memory_space<hbm>>
    %dma_wait3A_23 = tpu.memref_squeeze %dma_wait3A_22 : memref<1x8x4x8x128xf32, #tpu.memory_space<hbm>> -> memref<8x4x8x128xf32, #tpu.memory_space<hbm>>
    %dma_wait3A_24 = arith.constant 0 : i32
    %dma_wait3A_25 = arith.constant 0 : i32
    %dma_wait3A_26 = arith.constant 0 : i32
    %dma_wait3A_27 = tpu.memref_slice %arg4[%dma_wait3A, %dma_wait3A_24, %mul3A_4, %dma_wait3A_25, %dma_wait3A_26] : memref<200x8x128x8x128xf32, #tpu.memory_space<hbm>> -> memref<1x8x4x8x128xf32, #tpu.memory_space<hbm>>
    %dma_wait3A_28 = tpu.memref_squeeze %dma_wait3A_27 : memref<1x8x4x8x128xf32, #tpu.memory_space<hbm>> -> memref<8x4x8x128xf32, #tpu.memory_space<hbm>>
    tpu.wait_dma2 semaphore(%arg12 : memref<!tpu.dma_semaphore, #tpu.memory_space<semaphore_mem>>) src(%arg8 : memref<8x4x8x128xf32, #tpu.memory_space<vmem>>) dst(%dma_wait3A_28 : memref<8x4x8x128xf32, #tpu.memory_space<hbm>>)
    %dma_wait3A_29 = arith.constant 199 : i32
    %dma_wait3A_30 = arith.constant 0 : i32
    %dma_wait3A_31 = arith.constant 0 : i32
    %dma_wait3A_32 = arith.constant 0 : i32
    %dma_wait3A_33 = tpu.memref_slice %arg4[%dma_wait3A_29, %dma_wait3A_30, %mul3A_4, %dma_wait3A_31, %dma_wait3A_32] : memref<200x8x128x8x128xf32, #tpu.memory_space<hbm>> -> memref<1x8x4x8x128xf32, #tpu.memory_space<hbm>>
    %dma_wait3A_34 = tpu.memref_squeeze %dma_wait3A_33 : memref<1x8x4x8x128xf32, #tpu.memory_space<hbm>> -> memref<8x4x8x128xf32, #tpu.memory_space<hbm>>
    %dma_wait3A_35 = arith.constant 0 : i32
    %dma_wait3A_36 = arith.constant 0 : i32
    %dma_wait3A_37 = arith.constant 0 : i32
    %dma_wait3A_38 = tpu.memref_slice %arg4[%dma_wait3A_29, %dma_wait3A_35, %mul3A_4, %dma_wait3A_36, %dma_wait3A_37] : memref<200x8x128x8x128xf32, #tpu.memory_space<hbm>> -> memref<1x8x4x8x128xf32, #tpu.memory_space<hbm>>
    %dma_wait3A_39 = tpu.memref_squeeze %dma_wait3A_38 : memref<1x8x4x8x128xf32, #tpu.memory_space<hbm>> -> memref<8x4x8x128xf32, #tpu.memory_space<hbm>>
    tpu.wait_dma2 semaphore(%arg13 : memref<!tpu.dma_semaphore, #tpu.memory_space<semaphore_mem>>) src(%arg9 : memref<8x4x8x128xf32, #tpu.memory_space<vmem>>) dst(%dma_wait3A_39 : memref<8x4x8x128xf32, #tpu.memory_space<hbm>>)
    return
  }
}

</mosaic_0001>

<sc_bundles>
// kernel: kernel.3.cloned.1.call-start
scs
__scs_entry_jumppad:
0x0: {  	(pc) =	sbr.rel $0x88, $3  }
0x1: {  	(tag) =	ssettag $0x0;
	lr =	simm.s32 $0x1  }
0x2: {  	[smem:$0x3F9F] =	sst lr;
	_ =	strace $0xD0000000  }
0x3: {  	_ = 	snop  }
0x4: {  	_ = 	snop  }
0x5: {  	_ = 	snop  }
0x6: {  	_ = 	snop  }
0x7: {  	_ = 	snop  }
__scs_overlays_trampoline_lowered:
0x8: {  	[smem:$0x3FAE] =	sst s0  }
0x9: {  	[smem:$0x3FAF] =	sst s1  }
0xa: {  	[smem:$0x3FB0] =	sst s2  }
0xb: {  	[smem:$0x3FB1] =	sst s3  }
0xc: {  	[smem:$0x3FB2] =	sst s4  }
0xd: {  	[smem:$0x3FB3] =	sst s5  }
0xe: {  	[smem:$0x3FB4] =	sst s6  }
0xf: {  	[smem:$0x3FB5] =	sst s7  }
0x10: {  	[smem:$0x3FB6] =	sst s8  }
0x11: {  	[smem:$0x3FB7] =	sst s9;
	s0 =	simm.s32 @!p0 $0x0  }
0x12: {  	s1 =	sld [smem:$0x3F9D];
	s0 =	simm.s32 @p0 $0x1  }
0x13: {  	[smem:$0x3FB8] =	sst s0;
	s0 =	simm.s32 @!p1 $0x0  }
0x14: {  	s2 =	sld [smem:$0x3F9C];
	s0 =	simm.s32 @p1 $0x1  }
0x15: {  	[smem:$0x3FB9] =	sst s0;
	s0 =	simm.s32 @!p2 $0x0  }
0x16: {  	s3 =	sld [smem:$0x3FDB];
	s0 =	simm.s32 @p2 $0x1  }
0x17: {  	s4 =	simm.s32 $0x1BF5;
	[smem:$0x3FBB] =	sst s0  }
0x18: {  	s0 =	sld [smem:$0x3F9E];
	_ =	swait.ge [sflag:s4], $0x0  }
0x19: {  	s7 =	sld [smem:$0x3F9F]  }
0x1a: {  	s8 =	sadd.s32 $0xFFFFE003, lr  }
0x1b: {  	s9 =	sadd.s32 $0xFFFFFEF7, lr;
	s5 =	simm.s32 $0xFFFFFFFF;
	p2 =	slt.u32 s8, $0xFFFFF086  }
0x1c: {  	p1 =	slt.u32 s9, $0xF7A;
	s5 =	simm.s32 @!p2 $0x0  }
0x1d: {  	s5 =	simm.s32 @p1 $0x1;
	p0 =	seq.s32 s7, s2  }
0x1e: {  	s7 =	smul.u32 @!p0 $0xF7A, s2;
	p2 =	seq.s32 @!p0 s5, $0x0  }
0x1f: {  	s9 =	smul.u32 $0xF7A, s1;
	s8 =	simm.s32 @!p0 $0x1BF5;
	p2 =	por !p2, p0  }
0x20: {  	[sflag:s8] =	ssyncset.s32 @!p0 $0xFFFFF086;
	s6 =	sadd.s32 @!p0 s3, s7;
	s7 =	simm.s32 @!p0 $0x108  }
0x21: {  	s3 =	sadd.s32 s3, s9;
	s6 =	sadd.s32 @!p0 $0x88, s6;
	s7 =	simm.s32 @p2 $0x1082  }
0x22: {  	[simem:s7], [sflag:s8] =	dma.local @!p0 [hbm:s6], $0xF7A  }
0x23: {  	s9 =	sor.u32 $0xD0000000, s2;
	s6 =	simm.s32 $0x108;
	_ =	swait.ge @!p0 [sflag:s8], $0x0  }
0x24: {  	s3 =	sadd.s32 $0x88, s3;
	s6 =	simm.s32 @!p1 $0x1082;
	[sflag:s4] =	ssyncset.s32 $0xFFFFF086  }
0x25: {  	[simem:s6], [sflag:s4] =	dma.local [hbm:s3], $0xF7A  }
0x26: {  	[smem:$0x3F9F] =	sst s1;
	(tag) =	ssettag s2;
	_ =	strace s9  }
0x27: {  	s1 =	sld [smem:$0x3FAF]  }
0x28: {  	s2 =	sld [smem:$0x3FB0]  }
0x29: {  	s4 =	sld [smem:$0x3FB2]  }
0x2a: {  	p0 =	seq.s32 s5, $0x0;
	s5 =	sld [smem:$0x3FB3]  }
0x2b: {  	s6 =	sld [smem:$0x3FB4]  }
0x2c: {  	s7 =	sld [smem:$0x3FB5]  }
0x2d: {  	s3 =	simm.s32 $0x108;
	s8 =	sld [smem:$0x3FB6]  }
0x2e: {  	s3 =	simm.s32 @!p0 $0x1082;
	s9 =	sld [smem:$0x3FB7]  }
0x2f: {  	lr =	sadd.s32 s0, s3;
	s0 =	sld [smem:$0x3FAE]  }
0x30: {  	s3 =	sld [smem:$0x3FB1]  }
0x31: {  	[smem:$0x3FBA] =	sst s10  }
0x32: {  	s10 =	sld [smem:$0x3FB8];
	_ =	sdelay $0x3  }
0x33: {  	p0 =	seq.s32 s10, $0x1;
	s10 =	sld [smem:$0x3FBA];
	_ =	sdelay $0x3  }
0x34: {  	[smem:$0x3FBA] =	sst s10  }
0x35: {  	s10 =	sld [smem:$0x3FB9];
	_ =	sdelay $0x3  }
0x36: {  	p1 =	seq.s32 s10, $0x1;
	s10 =	sld [smem:$0x3FBA];
	_ =	sdelay $0x3  }
0x37: {  	[smem:$0x3FBA] =	sst s10  }
0x38: {  	s10 =	sld [smem:$0x3FBB]  }
0x39: {  	_ = 	snop;
	(pc) =	sbr.ind lr, $3  }
0x3a: {  	_ = 	snop  }
0x3b: {  	_ = 	snop  }
0x3c: {  	p2 =	seq.s32 s10, $0x1;
	s10 =	sld [smem:$0x3FBA]  }
0x3d: {  	_ =	shalt  }
0x3e: {  	_ =	shalt  }
0x3f: {  	_ =	shalt  }
0x40: {  	_ =	shalt  }
0x41: {  	_ =	shalt  }
0x42: {  	_ =	shalt  }
0x43: {  	_ =	shalt  }
0x44: {  	_ =	shalt  }
0x45: {  	_ =	shalt  }
0x46: {  	_ =	shalt  }
0x47: {  	_ =	shalt  }
0x48: {  	_ =	shalt  }
0x49: {  	_ =	shalt  }
0x4a: {  	_ =	shalt  }
0x4b: {  	_ =	shalt  }
0x4c: {  	_ =	shalt  }
0x4d: {  	_ =	shalt  }
0x4e: {  	_ =	shalt  }
0x4f: {  	_ =	shalt  }
0x50: {  	_ =	shalt  }
0x51: {  	_ =	shalt  }
0x52: {  	_ =	shalt  }
0x53: {  	_ =	shalt  }
0x54: {  	_ =	shalt  }
0x55: {  	_ =	shalt  }
0x56: {  	_ =	shalt  }
0x57: {  	_ =	shalt  }
0x58: {  	_ =	shalt  }
0x59: {  	_ =	shalt  }
0x5a: {  	_ =	shalt  }
0x5b: {  	_ =	shalt  }
0x5c: {  	_ =	shalt  }
0x5d: {  	_ =	shalt  }
0x5e: {  	_ =	shalt  }
0x5f: {  	_ =	shalt  }
0x60: {  	_ =	shalt  }
0x61: {  	_ =	shalt  }
0x62: {  	_ =	shalt  }
0x63: {  	_ =	shalt  }
0x64: {  	_ =	shalt  }
0x65: {  	_ =	shalt  }
0x66: {  	_ =	shalt  }
0x67: {  	_ =	shalt  }
0x68: {  	_ =	shalt  }
0x69: {  	_ =	shalt  }
0x6a: {  	_ =	shalt  }
0x6b: {  	_ =	shalt  }
0x6c: {  	_ =	shalt  }
0x6d: {  	_ =	shalt  }
0x6e: {  	_ =	shalt  }
0x6f: {  	_ =	shalt  }
0x70: {  	_ =	shalt  }
0x71: {  	_ =	shalt  }
0x72: {  	_ =	shalt  }
0x73: {  	_ =	shalt  }
0x74: {  	_ =	shalt  }
0x75: {  	_ =	shalt  }
0x76: {  	_ =	shalt  }
0x77: {  	_ =	shalt  }
0x78: {  	_ =	shalt  }
0x79: {  	_ =	shalt  }
0x7a: {  	_ =	shalt  }
0x7b: {  	_ =	shalt  }
0x7c: {  	_ =	shalt  }
0x7d: {  	_ =	shalt  }
0x7e: {  	_ =	shalt  }
0x7f: {  	_ =	shalt  }
0x80: {  	_ =	shalt  }
0x81: {  	_ =	shalt  }
0x82: {  	_ =	shalt  }
0x83: {  	_ =	shalt  }
0x84: {  	_ =	shalt  }
0x85: {  	_ =	shalt  }
0x86: {  	_ =	shalt  }
0x87: {  	_ =	shalt  }
.Lfunc_end0:
.L_simem_size_0:
called_computation_lowered:
.L_overlay_start_0:
0x88: {  	s2 =	sld [smem:$0x3FD9]  }
0x89: {  	s3 =	sld [smem:$0x3FFE];
	_ =	sdelay $0x1  }
0x8a: {  	s1 =	srdreg.scid  }
0x8b: {  	s0 =	sand.u32 $0x1, s1  }
0x8c: {  	s17 =	sshll.u32 s0, $0xA;
	s2 =	sadd.s32 s3, s2  }
0x8d: {  	s2 =	sadd.s32 s2, s17  }
0x8e: {  	[smem:$0x3FC6] =	sst s2  }
0x8f: {  	_ = 	snop  }
0x90: {  	s2 =	sld [smem:$0x3FD0];
	(tm) =	ssettm $0x1  }
0x91: {  	s18 =	sld [smem:$0x3FFB];
	_ =	sdelay $0x3  }
0x92: {  	_ =	strace s18  }
0x93: {  	s3 =	sld [smem:$0x3FFC];
	_ =	sdelay $0x3  }
0x94: {  	_ =	strace s3  }
0x95: {  	s3 =	sld [smem:$0x3FFD];
	_ =	sdelay $0x3  }
0x96: {  	_ =	strace s3  }
0x97: {  	_ =	strace $0x8FFFFFFF  }
0x98: {  	s19 =	sld [smem:$0x3FDB];
	_ =	sdelay $0x1  }
0x99: {  	s4 =	simm.s32 $_scs_section_size  }
0x9a: {  	s5 =	simm.s32 $_size__tile_overlayer_lowered;
	s6 =	simm.s32 $_tile_overlayer_lowered  }
0x9b: {  	s22 =	simm.s32 $0x1BFF;
	s21 =	sshll.u32 s6, $0x1;
	s3 =	sadd.s32 s4, s19  }
0x9c: {  	s7 =	simm.s32 $0x0;
	s20 =	sshll.u32 s5, $0x1;
	s5 =	sadd.s32 s21, s3  }
0x9d: {  	[timem:s7], [sflag:s22] =	dma.local [hbm:s5], s20  }
0x9e: {  	_ =	swait.ge [sflag:s22], s20  }
0x9f: {  	s4 =	ssub.s32 $0x0, s20;
	[sflag:s22] =	ssyncset.done $0x0  }
0xa0: {  	[sflag:s22] =	ssyncadd.s32 s4;
	_ =	sdelay $0x1  }
0xa1: {  	s23 =	simm.s32 $0x1B8B  }
0xa2: {  	_ =	swait.ge [sflag:s23], $0x1  }
0xa3: {  	[sflag:s23] =	ssyncset.done $0x0  }
0xa4: {  	s25 =	simm.s32 $0x1B8E;
	s24 =	sld [smem:$0x3FFE];
	[sflag:s23] =	ssyncadd.s32 $0xFFFFFFFF  }
0xa5: {  	s26 =	simm.s32 $execute0_lowered;
	[smem:$0x3FD2] =	sst s25  }
0xa6: {  	s5 =	sshll.u32 s26, $0x1;
	_ =	strace $0x80000046;
	[dreg:$0x1] =	wrdreg $0xFFFFFFFF  }
0xa7: {  	s28 =	simm.s32 $_size_execute0_lowered;
	s3 =	sadd.s32 s3, s5;
	[dreg:$0x0] =	wrdreg $0x0  }
0xa8: {  	s5 =	sshll.u32 s28, $0x1;
	[dreg:$0x2] =	wrdreg s3  }
0xa9: {  	[dreg:$0x3] =	wrdreg s5  }
0xaa: {  	[dreg:$0x4] =	wrdreg $0xC0  }
0xab: {  	_ =	task [dreg:s7], $0x5FFFF  }
0xac: {  	[dreg:$0x1] =	wrdreg $0xFFFFFFFF  }
0xad: {  	[dreg:$0x0] =	wrdreg $0x60  }
0xae: {  	[dreg:$0x2] =	wrdreg s24  }
0xaf: {  	[dreg:$0x3] =	wrdreg s2  }
0xb0: {  	[dreg:$0x4] =	wrdreg $0x9  }
0xb1: {  	_ =	task.clear_ibuf [dreg:s7], $0x5FFFF;
	_ =	strace $0x90000046  }
0xb2: {  	s29 =	simm.s32 $0x9;
	_ =	strace $0x80000048  }
0xb3: {  	_ =	swait.ge [sflag:s29], $0x1  }
0xb4: {  	[sflag:s29] =	ssyncadd.s32 $0xFFFFFFFF  }
0xb5: {  	_ =	strace $0x90000048  }
0xb6: {  	_ =	sfence  }
0xb7: {  	s30 =	sld [smem:$0x0];
	_ =	sdelay $0x2  }
0xb8: {  	s31 =	sshll.u32 s1, $0xD;
	s1 =	sshrl.u32 s1, $0x2  }
0xb9: {  	s3 =	sand.u32 $0x4000, s31;
	s1 =	sadd.s32 s1, s30  }
0xba: {  	s0 =	sor.u32 s3, s0;
	s1 =	sshll.u32 s1, $0x11  }
0xbb: {  	s0 =	sor.u32 s1, s0  }
0xbc: {  	s0 =	sadd.s32 $0x8F2B, s0  }
0xbd: {  	[sflag:s0] =	ssyncadd.remote.s32 $0x1  }
0xbe: {  	_ =	sfence.sel $0xFFFF  }
0xbf: {  	[dreg:$0x0] =	wrdreg $0xFFFFFFFF;
	(pc) =	sbr.abs _section_cstart, $3  }
0xc0: {  	[dreg:$0x1] =	wrdreg $0xFFFFFFFF  }
0xc1: {  	_ =	task.clear_ibuf [dreg:s7], $0x2FFFF;
	_ =	strace $0x9FFFFFFF  }
0xc2: {  	(tm) =	ssettm $0x7FFFFFFF  }
0xc3: {  	_ =	shalt  }
tec
execute0_lowered:
.L_overlay_start_1:
0x0: {  	(tag) =	ssettag $0x1  }
0x1: {  	s5 =	rddreg [dreg:$0x0]  }
0x2: {  	s2 =	rddreg [dreg:$0x1]  }
0x3: {  	s3 =	simm.s32 $0x0;
	s4 =	srdreg.scid;
	s0 =	stileid.u32  }
0x4: {  	s13 =	simm.s32 $0x5;
	s14 =	simm.s32 $0xC00;
	s15 =	simm.s32 $0xE00  }
0x5: {  	s16 =	simm.s32 $0x1;
	s17 =	simm.s32 $0x20000;
	s18 =	simm.s32 $0x1000  }
0x6: {  	s19 =	simm.s32 $0x2;
	s20 =	simm.s32 $0x4;
	s21 =	simm.s32 $0x9000  }
0x7: {  	s22 =	simm.s32 $0x3;
	s23 =	simm.s32 $0x0;
	[smem:$0x7FF] =	sst s3  }
0x8: {  	s6 =	sand.u32 $0x1, s4;
	s30 =	sshll.u32 s0, $0x1;
	s4 =	sadd.s32 $0x600, s5  }
.Ltmp0:
0x9: {  	s5 =	sadd.s32 $0x400, s5;
	s11 =	sadd.s32 $0x20000, s2;
	(pc) =	sbr.rel .LBB2_1-.Ltmp0, $4  }
0xa: {  	_ =	strace $0x80000047;
	s7 =	sor.u32 s6, s30;
	s8 =	ssub.s32 $0x2, s6  }
0xb: {  	s31 =	sshll.u32 s7, $0x6;
	s9 =	sshrl.u32 s8, $0x1;
	s7 =	sshll.u32 s7, $0x9  }
0xc: {  	s6 =	sadd.s32 s4, s31;
	s12 =	ssub.s32 s8, s9;
	s9 =	sor.u32 $0x8000, s7  }
0xd: {  	s10 =	sor.u32 $0xC000, s7;
	s8 =	sadd.s32 $0x800, s6;
	s12 =	smax.u32 s12, $0x1  }
.LBB2_24:
0xe: {  	s23 =	sadd.s32 $0x1, s23  }
0xf: {  	_ =	swait.ge [sflag:s22], $0x8000;
	p0 =	sne.s32 s23, s12  }
.Ltmp1:
0x10: {  	[sflag:s22] =	ssyncset.done $0x0;
	(pc) =	sbr.rel @!p0 .LBB2_25-.Ltmp1, $4  }
0x11: {  	[sflag:s22] =	ssyncadd.s32 $0xFFFF8000  }
0x12: {  	_ =	swait.ge [sflag:s20], $0x8000  }
0x13: {  	[sflag:s20] =	ssyncset.done $0x0  }
0x14: {  	[sflag:s20] =	ssyncadd.s32 $0xFFFF8000  }
.LBB2_1:
0x15: {  	[tilespmem:s3], [sflag:$0x5] =	stream.linear.gather [hbm4b:s5+s3], $0xC00, $0x38;
	[tilespmem:$0x11000] =	vst v63  }
0x16: {  	_ =	swait.ge [sflag:s13], $0xC00  }
0x17: {  	[sflag:s13] =	ssyncset.done $0x0  }
0x18: {  	[sflag:s13] =	ssyncadd.s32 $0xFFFFF400  }
0x19: {  	[tilespmem:s14], [sflag:$0x1] =	stream.linear.gather [hbm4b:s6+s3], $0x200, $0x38;
	[tilespmem:$0x11000] =	vst v63  }
0x1a: {  	s24 =	simm.s32 $0x0  }
0x1b: {  	[tilespmem:s15], [sflag:$0x2] =	stream.linear.gather [hbm4b:s8+s3], $0x200, $0x38;
	[tilespmem:$0x11000] =	vst v63  }
.LBB2_2:
0x1c: {  	_ =	swait.ge [sflag:s16], $0x200  }
0x1d: {  	p0 =	seq.s32 s24, $0x0;
	[sflag:s16] =	ssyncset.done $0x0  }
0x1e: {  	s25 =	simm.s32 @!p0 $0x3;
	[sflag:s16] =	ssyncadd.s32 $0xFFFFFE00  }
0x1f: {  	_ =	swait.ge @!p0 [sflag:s25], $0x8000  }
0x20: {  	[sflag:s25] =	ssyncset.done @!p0 $0x0  }
0x21: {  	[sflag:s25] =	ssyncadd.s32 @!p0 $0xFFFF8000  }
0x22: {  	v0 =	vld [tilespmem:$0xC20]  }
0x23: {  	v1 =	vld [tilespmem:$0xC30]  }
0x24: {  	v2 =	vld [tilespmem:$0xC40]  }
0x25: {  	v3 =	vld [tilespmem:$0xC50]  }
0x26: {  	v4 =	vld [tilespmem:$0xC60]  }
0x27: {  	s26 =	simm.s32 $0x800;
	v5 =	vld [tilespmem:$0xC70]  }
0x28: {  	v6 =	vld [tilespmem:s26+$0xFFFFFC00]  }
0x29: {  	v7 =	vld [tilespmem:s26+$0x0]  }
0x2a: {  	v8 =	vld [tilespmem:s26+$0xFFFFF800]  }
0x2b: {  	v63 =	vld [tilespmem:$0xC10];
	vm3 =	veq.s32 v4, $0x1;
	vm1 =	veq.s32 v4, $0x0  }
0x2c: {  	vm0 =	veq.s32 v5, $0x1;
	vm4 =	veq.s32 v3, $0x1;
	vm2 =	veq.s32 v3, $0x0  }
0x2d: {  	s26 =	simm.s32 $0x0;
	vm10 =	veq.s32 v2, $0x1;
	vm7 =	veq.s32 v2, $0x0;
	vm6 =	veq.s32 v1, $0x1  }
0x2e: {  	s31 =	sand.u32 $0x7000, s26;
	s28 =	sand.u32 $0x380, s26;
	vm5 =	veq.s32 v1, $0x0;
	vm8 =	veq.s32 v0, $0x1;
	v1 =	vsel vm3, v6, v7  }
0x2f: {  	s25 =	sor.u32 s28, s31;
	v2 =	vld [tilespmem:$0xC00];
	vm9 =	veq.s32 v0, $0x0;
	v3 =	vsel vm10, v6, v7;
	v1 =	vsel vm1, v8, v1  }
0x30: {  	vm11 =	veq.s32 v63, $0x1;
	v0 =	vsel vm4, v6, v7;
	v3 =	vsel vm7, v8, v3;
	[tilespmem:s25+$0x1060] =	vst v1  }
0x31: {  	vm12 =	veq.s32 v63, $0x0;
	v0 =	vsel vm2, v8, v0;
	v1 =	vsel vm6, v6, v7;
	[tilespmem:s25+$0x1040] =	vst v3  }
0x32: {  	v3 =	vsel vm8, v6, v7;
	[tilespmem:s25+$0x1050] =	vst v0;
	v0 =	vsel vm11, v6, v7;
	v1 =	vsel vm5, v8, v1  }
0x33: {  	vm15 =	veq.s32 v5, $0x0;
	v3 =	vsel vm9, v8, v3;
	v0 =	vsel vm12, v8, v0;
	[tilespmem:s25+$0x1030] =	vst v1  }
0x34: {  	vm13 =	veq.s32 v2, $0x1;
	vm14 =	veq.s32 v2, $0x0;
	[tilespmem:s25+$0x1020] =	vst v3;
	v2 =	vsel vm0, v6, v7  }
0x35: {  	[tilespmem:s25+$0x1010] =	vst v0;
	v1 =	vsel vm13, v6, v7;
	v0 =	vsel vm15, v8, v2  }
0x36: {  	v1 =	vsel vm14, v8, v1;
	[tilespmem:s25+$0x1070] =	vst v0  }
0x37: {  	s28 =	simm.s32 $0x810;
	[tilespmem:s25+$0x1000] =	vst v1  }
0x38: {  	v0 =	vld [tilespmem:s28+$0xFFFFFC00]  }
0x39: {  	s29 =	simm.s32 $0x200;
	s30 =	simm.s32 $0x400;
	s25 =	sshll.u32 s24, $0xF;
	v1 =	vld [tilespmem:s28+$0x0]  }
.LBB2_3:
0x3a: {  	p1 =	sne.s32 s30, $0x7E00;
	v2 =	vld [tilespmem:s28+$0xFFFFF800];
	_ =	sdelay $0x2  }
0x3b: {  	s26 =	sadd.s32 $0x80, s26  }
0x3c: {  	s31 =	sand.u32 $0x7000, s29;
	s29 =	smov.u32 s30;
	s0 =	sand.u32 $0x380, s26;
	v3 =	vsel vm10, v0, v1;
	v4 =	vsel vm4, v0, v1;
	v5 =	vsel vm3, v0, v1  }
0x3d: {  	s0 =	sor.u32 s0, s31;
	v3 =	vsel vm7, v2, v3;
	v4 =	vsel vm2, v2, v4;
	v5 =	vsel vm1, v2, v5  }
0x3e: {  	v6 =	vsel vm11, v0, v1;
	v7 =	vsel vm8, v0, v1;
	v8 =	vsel vm6, v0, v1;
	[tilespmem:s0+$0x1060] =	vst v5  }
0x3f: {  	v5 =	vsel vm12, v2, v6;
	v6 =	vsel vm9, v2, v7;
	v7 =	vsel vm5, v2, v8;
	[tilespmem:s0+$0x1040] =	vst v3  }
0x40: {  	v3 =	vsel vm13, v0, v1;
	v0 =	vsel vm0, v0, v1;
	[tilespmem:s0+$0x1050] =	vst v4  }
0x41: {  	v1 =	vsel vm14, v2, v3;
	v0 =	vsel vm15, v2, v0;
	[tilespmem:s0+$0x1030] =	vst v7  }
0x42: {  	[tilespmem:s0+$0x1020] =	vst v6  }
.Ltmp2:
0x43: {  	[tilespmem:s0+$0x1010] =	vst v5;
	(pc) =	sbr.rel @p1 .LBB2_3-.Ltmp2, $4  }
0x44: {  	[tilespmem:s0+$0x1000] =	vst v1  }
0x45: {  	s28 =	sadd.s32 $0x10, s28;
	[tilespmem:s0+$0x1070] =	vst v0  }
0x46: {  	v0 =	vld [tilespmem:s28+$0xFFFFFC00]  }
0x47: {  	s30 =	sadd.s32 $0x200, s30;
	v1 =	vld [tilespmem:s28+$0x0]  }
0x48: {  	v2 =	vld [tilespmem:s28+$0xFFFFF800];
	_ =	sdelay $0x2  }
0x49: {  	s0 =	sadd.s32 $0x80, s26  }
0x4a: {  	s1 =	sand.u32 $0x7000, s29;
	s0 =	sand.u32 $0x380, s0;
	v3 =	vsel vm3, v0, v1  }
0x4b: {  	s0 =	sor.u32 s0, s1;
	v4 =	vsel vm10, v0, v1;
	v3 =	vsel vm1, v2, v3  }
0x4c: {  	v5 =	vsel vm4, v0, v1;
	v4 =	vsel vm7, v2, v4;
	[tilespmem:s0+$0x1060] =	vst v3  }
0x4d: {  	v59 =	vsel vm6, v0, v1;
	v3 =	vsel vm2, v2, v5;
	[tilespmem:s0+$0x1040] =	vst v4  }
0x4e: {  	v60 =	vsel vm8, v0, v1;
	v5 =	vsel vm5, v2, v59;
	[tilespmem:s0+$0x1050] =	vst v3  }
0x4f: {  	v61 =	vsel vm13, v0, v1;
	v4 =	vsel vm9, v2, v60;
	[tilespmem:s0+$0x1030] =	vst v5  }
0x50: {  	v3 =	vsel vm11, v0, v1;
	[tilespmem:s0+$0x1020] =	vst v4;
	v0 =	vsel vm0, v0, v1;
	v1 =	vsel vm14, v2, v61  }
0x51: {  	v3 =	vsel vm12, v2, v3;
	[tilespmem:s0+$0x1000] =	vst v1  }
0x52: {  	v0 =	vsel vm15, v2, v0;
	[tilespmem:s0+$0x1010] =	vst v3  }
0x53: {  	[tilespmem:s0+$0x1070] =	vst v0  }
0x54: {  	v0 =	vld [tilespmem:$0xCA0]  }
0x55: {  	v1 =	vld [tilespmem:$0xCB0]  }
0x56: {  	v2 =	vld [tilespmem:$0xCC0]  }
0x57: {  	v3 =	vld [tilespmem:$0xCD0]  }
0x58: {  	v4 =	vld [tilespmem:$0xCE0]  }
0x59: {  	s26 =	simm.s32 $0x800;
	v62 =	vld [tilespmem:$0xCF0]  }
0x5a: {  	v6 =	vld [tilespmem:s26+$0xFFFFFC00]  }
0x5b: {  	v7 =	vld [tilespmem:s26+$0x0]  }
0x5c: {  	v8 =	vld [tilespmem:s26+$0xFFFFF800]  }
0x5d: {  	v63 =	vld [tilespmem:$0xC90];
	vm3 =	veq.s32 v4, $0x1;
	vm1 =	veq.s32 v4, $0x0  }
0x5e: {  	vm0 =	veq.s32 v62, $0x1;
	vm4 =	veq.s32 v3, $0x1;
	vm2 =	veq.s32 v3, $0x0  }
0x5f: {  	s26 =	simm.s32 $0x0;
	vm10 =	veq.s32 v2, $0x1;
	vm7 =	veq.s32 v2, $0x0;
	vm6 =	veq.s32 v1, $0x1  }
0x60: {  	s31 =	sand.u32 $0x7000, s26;
	s28 =	sand.u32 $0x380, s26;
	vm5 =	veq.s32 v1, $0x0;
	vm8 =	veq.s32 v0, $0x1;
	v1 =	vsel vm3, v6, v7  }
0x61: {  	s0 =	sor.u32 s28, s31;
	v2 =	vld [tilespmem:$0xC80];
	vm9 =	veq.s32 v0, $0x0;
	v3 =	vsel vm10, v6, v7;
	v1 =	vsel vm1, v8, v1  }
0x62: {  	vm11 =	veq.s32 v63, $0x1;
	v0 =	vsel vm4, v6, v7;
	v3 =	vsel vm7, v8, v3;
	[tilespmem:s0+$0x1460] =	vst v1  }
0x63: {  	vm12 =	veq.s32 v63, $0x0;
	v0 =	vsel vm2, v8, v0;
	v1 =	vsel vm6, v6, v7;
	[tilespmem:s0+$0x1440] =	vst v3  }
0x64: {  	v3 =	vsel vm8, v6, v7;
	[tilespmem:s0+$0x1450] =	vst v0;
	v0 =	vsel vm11, v6, v7;
	v1 =	vsel vm5, v8, v1  }
0x65: {  	vm15 =	veq.s32 v62, $0x0;
	v3 =	vsel vm9, v8, v3;
	v0 =	vsel vm12, v8, v0;
	[tilespmem:s0+$0x1430] =	vst v1  }
0x66: {  	vm13 =	veq.s32 v2, $0x1;
	vm14 =	veq.s32 v2, $0x0;
	[tilespmem:s0+$0x1420] =	vst v3;
	v2 =	vsel vm0, v6, v7  }
0x67: {  	[tilespmem:s0+$0x1410] =	vst v0;
	v1 =	vsel vm13, v6, v7;
	v0 =	vsel vm15, v8, v2  }
0x68: {  	v1 =	vsel vm14, v8, v1;
	[tilespmem:s0+$0x1470] =	vst v0  }
0x69: {  	s28 =	simm.s32 $0x810;
	[tilespmem:s0+$0x1400] =	vst v1  }
0x6a: {  	v0 =	vld [tilespmem:s28+$0xFFFFFC00]  }
0x6b: {  	s29 =	simm.s32 $0x200;
	s30 =	simm.s32 $0x400;
	v1 =	vld [tilespmem:s28+$0x0]  }
.LBB2_5:
0x6c: {  	p1 =	sne.s32 s30, $0x7E00;
	v2 =	vld [tilespmem:s28+$0xFFFFF800];
	_ =	sdelay $0x2  }
0x6d: {  	s26 =	sadd.s32 $0x80, s26  }
0x6e: {  	s0 =	sand.u32 $0x7000, s29;
	s29 =	smov.u32 s30;
	s31 =	sand.u32 $0x380, s26;
	v3 =	vsel vm10, v0, v1;
	v4 =	vsel vm4, v0, v1;
	v5 =	vsel vm3, v0, v1  }
0x6f: {  	s0 =	sor.u32 s31, s0;
	v3 =	vsel vm7, v2, v3;
	v4 =	vsel vm2, v2, v4;
	v5 =	vsel vm1, v2, v5  }
0x70: {  	v6 =	vsel vm11, v0, v1;
	v7 =	vsel vm8, v0, v1;
	v8 =	vsel vm6, v0, v1;
	[tilespmem:s0+$0x1460] =	vst v5  }
0x71: {  	v5 =	vsel vm12, v2, v6;
	v6 =	vsel vm9, v2, v7;
	v7 =	vsel vm5, v2, v8;
	[tilespmem:s0+$0x1440] =	vst v3  }
0x72: {  	v3 =	vsel vm13, v0, v1;
	v0 =	vsel vm0, v0, v1;
	[tilespmem:s0+$0x1450] =	vst v4  }
0x73: {  	v1 =	vsel vm14, v2, v3;
	v0 =	vsel vm15, v2, v0;
	[tilespmem:s0+$0x1430] =	vst v7  }
0x74: {  	[tilespmem:s0+$0x1420] =	vst v6  }
.Ltmp3:
0x75: {  	[tilespmem:s0+$0x1410] =	vst v5;
	(pc) =	sbr.rel @p1 .LBB2_5-.Ltmp3, $4  }
0x76: {  	[tilespmem:s0+$0x1400] =	vst v1  }
0x77: {  	s28 =	sadd.s32 $0x10, s28;
	[tilespmem:s0+$0x1470] =	vst v0  }
0x78: {  	v0 =	vld [tilespmem:s28+$0xFFFFFC00]  }
0x79: {  	s30 =	sadd.s32 $0x200, s30;
	v1 =	vld [tilespmem:s28+$0x0]  }
0x7a: {  	v2 =	vld [tilespmem:s28+$0xFFFFF800];
	_ =	sdelay $0x2  }
0x7b: {  	s0 =	sadd.s32 $0x80, s26  }
0x7c: {  	s1 =	sand.u32 $0x7000, s29;
	s0 =	sand.u32 $0x380, s0;
	v3 =	vsel vm3, v0, v1  }
0x7d: {  	s0 =	sor.u32 s0, s1;
	v4 =	vsel vm10, v0, v1;
	v3 =	vsel vm1, v2, v3  }
0x7e: {  	v5 =	vsel vm4, v0, v1;
	v4 =	vsel vm7, v2, v4;
	[tilespmem:s0+$0x1460] =	vst v3  }
0x7f: {  	v58 =	vsel vm6, v0, v1;
	v3 =	vsel vm2, v2, v5;
	[tilespmem:s0+$0x1440] =	vst v4  }
0x80: {  	v59 =	vsel vm8, v0, v1;
	v5 =	vsel vm5, v2, v58;
	[tilespmem:s0+$0x1450] =	vst v3  }
0x81: {  	v60 =	vsel vm13, v0, v1;
	v4 =	vsel vm9, v2, v59;
	[tilespmem:s0+$0x1430] =	vst v5  }
0x82: {  	v3 =	vsel vm11, v0, v1;
	[tilespmem:s0+$0x1420] =	vst v4;
	v0 =	vsel vm0, v0, v1;
	v1 =	vsel vm14, v2, v60  }
0x83: {  	v3 =	vsel vm12, v2, v3;
	[tilespmem:s0+$0x1400] =	vst v1  }
0x84: {  	v0 =	vsel vm15, v2, v0;
	[tilespmem:s0+$0x1410] =	vst v3  }
0x85: {  	[tilespmem:s0+$0x1470] =	vst v0  }
0x86: {  	v0 =	vld [tilespmem:$0xD10]  }
0x87: {  	v1 =	vld [tilespmem:$0xD20]  }
0x88: {  	v2 =	vld [tilespmem:$0xD30]  }
0x89: {  	v3 =	vld [tilespmem:$0xD40]  }
0x8a: {  	v61 =	vld [tilespmem:$0xD60]  }
0x8b: {  	s26 =	simm.s32 $0x800;
	v4 =	vld [tilespmem:$0xD50]  }
0x8c: {  	v7 =	vld [tilespmem:s26+$0xFFFFFC00]  }
0x8d: {  	v8 =	vld [tilespmem:s26+$0x0]  }
0x8e: {  	v9 =	vld [tilespmem:s26+$0xFFFFF800]  }
0x8f: {  	vm6 =	veq.s32 v61, $0x0  }
0x90: {  	vm4 =	veq.s32 v4, $0x0;
	vm5 =	veq.s32 v3, $0x0;
	vm2 =	veq.s32 v2, $0x0  }
0x91: {  	v6 =	vld [tilespmem:$0xD70];
	s26 =	simm.s32 $0x0;
	vm1 =	veq.s32 v1, $0x0;
	vm7 =	veq.s32 v61, $0x1;
	vm3 =	veq.s32 v0, $0x0  }
0x92: {  	v62 =	vld [tilespmem:$0xD00];
	s31 =	sand.u32 $0x7000, s26;
	s28 =	sand.u32 $0x380, s26;
	vm8 =	veq.s32 v3, $0x1;
	vm9 =	veq.s32 v4, $0x1;
	v3 =	vsel vm7, v7, v8  }
0x93: {  	s0 =	sor.u32 s28, s31;
	vm10 =	veq.s32 v2, $0x1;
	v63 =	vsel vm8, v7, v8;
	v3 =	vsel vm6, v9, v3  }
0x94: {  	vm11 =	veq.s32 v1, $0x1;
	v2 =	vsel vm9, v7, v8;
	v4 =	vsel vm5, v9, v63;
	[tilespmem:s0+$0x1860] =	vst v3  }
0x95: {  	vm12 =	veq.s32 v0, $0x1;
	v0 =	vsel vm11, v7, v8;
	v1 =	vsel vm4, v9, v2;
	[tilespmem:s0+$0x1840] =	vst v4  }
0x96: {  	vm0 =	veq.s32 v6, $0x1;
	v2 =	vsel vm10, v7, v8;
	v0 =	vsel vm1, v9, v0;
	[tilespmem:s0+$0x1850] =	vst v1  }
0x97: {  	vm13 =	veq.s32 v62, $0x1;
	v2 =	vsel vm2, v9, v2;
	v1 =	vsel vm12, v7, v8;
	[tilespmem:s0+$0x1820] =	vst v0  }
0x98: {  	vm15 =	veq.s32 v6, $0x0;
	v0 =	vsel vm0, v7, v8;
	[tilespmem:s0+$0x1830] =	vst v2;
	v1 =	vsel vm3, v9, v1  }
0x99: {  	vm14 =	veq.s32 v62, $0x0;
	v2 =	vsel vm13, v7, v8;
	v0 =	vsel vm15, v9, v0;
	[tilespmem:s0+$0x1810] =	vst v1  }
0x9a: {  	v2 =	vsel vm14, v9, v2;
	[tilespmem:s0+$0x1870] =	vst v0  }
0x9b: {  	s28 =	simm.s32 $0x810;
	[tilespmem:s0+$0x1800] =	vst v2  }
0x9c: {  	v0 =	vld [tilespmem:s28+$0xFFFFFC00]  }
0x9d: {  	s29 =	simm.s32 $0x200;
	s30 =	simm.s32 $0x400;
	v1 =	vld [tilespmem:s28+$0x0]  }
.LBB2_7:
0x9e: {  	p1 =	sne.s32 s30, $0x7E00;
	v2 =	vld [tilespmem:s28+$0xFFFFF800];
	_ =	sdelay $0x2  }
0x9f: {  	s26 =	sadd.s32 $0x80, s26  }
0xa0: {  	s0 =	sand.u32 $0x7000, s29;
	s29 =	smov.u32 s30;
	s31 =	sand.u32 $0x380, s26;
	v3 =	vsel vm8, v0, v1;
	v4 =	vsel vm9, v0, v1;
	v5 =	vsel vm7, v0, v1  }
0xa1: {  	s0 =	sor.u32 s31, s0;
	v3 =	vsel vm5, v2, v3;
	v4 =	vsel vm4, v2, v4;
	v5 =	vsel vm6, v2, v5  }
0xa2: {  	v6 =	vsel vm12, v0, v1;
	v7 =	vsel vm11, v0, v1;
	v8 =	vsel vm10, v0, v1;
	[tilespmem:s0+$0x1860] =	vst v5  }
0xa3: {  	v5 =	vsel vm3, v2, v6;
	v6 =	vsel vm1, v2, v7;
	v7 =	vsel vm2, v2, v8;
	[tilespmem:s0+$0x1840] =	vst v3  }
0xa4: {  	v3 =	vsel vm13, v0, v1;
	v0 =	vsel vm0, v0, v1;
	[tilespmem:s0+$0x1850] =	vst v4  }
0xa5: {  	v1 =	vsel vm14, v2, v3;
	v0 =	vsel vm15, v2, v0;
	[tilespmem:s0+$0x1830] =	vst v7  }
0xa6: {  	[tilespmem:s0+$0x1820] =	vst v6  }
.Ltmp4:
0xa7: {  	[tilespmem:s0+$0x1810] =	vst v5;
	(pc) =	sbr.rel @p1 .LBB2_7-.Ltmp4, $4  }
0xa8: {  	[tilespmem:s0+$0x1800] =	vst v1  }
0xa9: {  	s28 =	sadd.s32 $0x10, s28;
	[tilespmem:s0+$0x1870] =	vst v0  }
0xaa: {  	v0 =	vld [tilespmem:s28+$0xFFFFFC00]  }
0xab: {  	s30 =	sadd.s32 $0x200, s30;
	v1 =	vld [tilespmem:s28+$0x0]  }
0xac: {  	v2 =	vld [tilespmem:s28+$0xFFFFF800];
	_ =	sdelay $0x2  }
0xad: {  	s0 =	sadd.s32 $0x80, s26  }
0xae: {  	s1 =	sand.u32 $0x7000, s29;
	s0 =	sand.u32 $0x380, s0;
	v3 =	vsel vm7, v0, v1  }
0xaf: {  	s0 =	sor.u32 s0, s1;
	v4 =	vsel vm8, v0, v1;
	v3 =	vsel vm6, v2, v3  }
0xb0: {  	v5 =	vsel vm9, v0, v1;
	v4 =	vsel vm5, v2, v4;
	[tilespmem:s0+$0x1860] =	vst v3  }
0xb1: {  	v58 =	vsel vm10, v0, v1;
	v3 =	vsel vm4, v2, v5;
	[tilespmem:s0+$0x1840] =	vst v4  }
0xb2: {  	v59 =	vsel vm11, v0, v1;
	v5 =	vsel vm2, v2, v58;
	[tilespmem:s0+$0x1850] =	vst v3  }
0xb3: {  	v60 =	vsel vm13, v0, v1;
	v4 =	vsel vm1, v2, v59;
	[tilespmem:s0+$0x1830] =	vst v5  }
0xb4: {  	v3 =	vsel vm12, v0, v1;
	[tilespmem:s0+$0x1820] =	vst v4;
	v0 =	vsel vm0, v0, v1;
	v1 =	vsel vm14, v2, v60  }
0xb5: {  	v3 =	vsel vm3, v2, v3;
	[tilespmem:s0+$0x1800] =	vst v1  }
0xb6: {  	v0 =	vsel vm15, v2, v0;
	[tilespmem:s0+$0x1810] =	vst v3  }
0xb7: {  	[tilespmem:s0+$0x1870] =	vst v0  }
0xb8: {  	v0 =	vld [tilespmem:$0xD90]  }
0xb9: {  	v1 =	vld [tilespmem:$0xDA0]  }
0xba: {  	v2 =	vld [tilespmem:$0xDB0]  }
0xbb: {  	v3 =	vld [tilespmem:$0xDC0]  }
0xbc: {  	v61 =	vld [tilespmem:$0xDE0]  }
0xbd: {  	s26 =	simm.s32 $0x800;
	v4 =	vld [tilespmem:$0xDD0]  }
0xbe: {  	v7 =	vld [tilespmem:s26+$0xFFFFFC00]  }
0xbf: {  	v8 =	vld [tilespmem:s26+$0x0]  }
0xc0: {  	v9 =	vld [tilespmem:s26+$0xFFFFF800]  }
0xc1: {  	vm6 =	veq.s32 v61, $0x0  }
0xc2: {  	vm4 =	veq.s32 v4, $0x0;
	vm5 =	veq.s32 v3, $0x0;
	vm2 =	veq.s32 v2, $0x0  }
0xc3: {  	v6 =	vld [tilespmem:$0xDF0];
	s26 =	simm.s32 $0x0;
	vm1 =	veq.s32 v1, $0x0;
	vm7 =	veq.s32 v61, $0x1;
	vm3 =	veq.s32 v0, $0x0  }
0xc4: {  	v62 =	vld [tilespmem:$0xD80];
	s31 =	sand.u32 $0x7000, s26;
	s28 =	sand.u32 $0x380, s26;
	vm8 =	veq.s32 v3, $0x1;
	vm9 =	veq.s32 v4, $0x1;
	v3 =	vsel vm7, v7, v8  }
0xc5: {  	s0 =	sor.u32 s28, s31;
	vm10 =	veq.s32 v2, $0x1;
	v63 =	vsel vm8, v7, v8;
	v3 =	vsel vm6, v9, v3  }
0xc6: {  	vm11 =	veq.s32 v1, $0x1;
	v2 =	vsel vm9, v7, v8;
	v4 =	vsel vm5, v9, v63;
	[tilespmem:s0+$0x1C60] =	vst v3  }
0xc7: {  	vm12 =	veq.s32 v0, $0x1;
	v0 =	vsel vm11, v7, v8;
	v1 =	vsel vm4, v9, v2;
	[tilespmem:s0+$0x1C40] =	vst v4  }
0xc8: {  	vm0 =	veq.s32 v6, $0x1;
	v2 =	vsel vm10, v7, v8;
	v0 =	vsel vm1, v9, v0;
	[tilespmem:s0+$0x1C50] =	vst v1  }
0xc9: {  	vm13 =	veq.s32 v62, $0x1;
	v2 =	vsel vm2, v9, v2;
	v1 =	vsel vm12, v7, v8;
	[tilespmem:s0+$0x1C20] =	vst v0  }
0xca: {  	vm15 =	veq.s32 v6, $0x0;
	v0 =	vsel vm0, v7, v8;
	[tilespmem:s0+$0x1C30] =	vst v2;
	v1 =	vsel vm3, v9, v1  }
0xcb: {  	vm14 =	veq.s32 v62, $0x0;
	v2 =	vsel vm13, v7, v8;
	v0 =	vsel vm15, v9, v0;
	[tilespmem:s0+$0x1C10] =	vst v1  }
0xcc: {  	v2 =	vsel vm14, v9, v2;
	[tilespmem:s0+$0x1C70] =	vst v0  }
0xcd: {  	s28 =	simm.s32 $0x810;
	[tilespmem:s0+$0x1C00] =	vst v2  }
0xce: {  	v0 =	vld [tilespmem:s28+$0xFFFFFC00]  }
0xcf: {  	s29 =	simm.s32 $0x200;
	s30 =	simm.s32 $0x400;
	v1 =	vld [tilespmem:s28+$0x0]  }
.LBB2_9:
0xd0: {  	p1 =	sne.s32 s30, $0x7E00;
	v2 =	vld [tilespmem:s28+$0xFFFFF800];
	_ =	sdelay $0x2  }
0xd1: {  	s26 =	sadd.s32 $0x80, s26  }
0xd2: {  	s0 =	sand.u32 $0x7000, s29;
	s29 =	smov.u32 s30;
	s31 =	sand.u32 $0x380, s26;
	v3 =	vsel vm8, v0, v1;
	v4 =	vsel vm9, v0, v1;
	v5 =	vsel vm7, v0, v1  }
0xd3: {  	s0 =	sor.u32 s31, s0;
	v3 =	vsel vm5, v2, v3;
	v4 =	vsel vm4, v2, v4;
	v5 =	vsel vm6, v2, v5  }
0xd4: {  	v6 =	vsel vm12, v0, v1;
	v7 =	vsel vm11, v0, v1;
	v8 =	vsel vm10, v0, v1;
	[tilespmem:s0+$0x1C60] =	vst v5  }
0xd5: {  	v5 =	vsel vm3, v2, v6;
	v6 =	vsel vm1, v2, v7;
	v7 =	vsel vm2, v2, v8;
	[tilespmem:s0+$0x1C40] =	vst v3  }
0xd6: {  	v3 =	vsel vm13, v0, v1;
	v0 =	vsel vm0, v0, v1;
	[tilespmem:s0+$0x1C50] =	vst v4  }
0xd7: {  	v1 =	vsel vm14, v2, v3;
	v0 =	vsel vm15, v2, v0;
	[tilespmem:s0+$0x1C30] =	vst v7  }
0xd8: {  	[tilespmem:s0+$0x1C20] =	vst v6  }
.Ltmp5:
0xd9: {  	[tilespmem:s0+$0x1C10] =	vst v5;
	(pc) =	sbr.rel @p1 .LBB2_9-.Ltmp5, $4  }
0xda: {  	[tilespmem:s0+$0x1C00] =	vst v1  }
0xdb: {  	s28 =	sadd.s32 $0x10, s28;
	[tilespmem:s0+$0x1C70] =	vst v0  }
0xdc: {  	v0 =	vld [tilespmem:s28+$0xFFFFFC00]  }
0xdd: {  	s30 =	sadd.s32 $0x200, s30;
	v1 =	vld [tilespmem:s28+$0x0]  }
0xde: {  	v2 =	vld [tilespmem:s28+$0xFFFFF800];
	_ =	sdelay $0x2  }
0xdf: {  	s0 =	sadd.s32 $0x80, s26  }
0xe0: {  	s29 =	sand.u32 $0x7000, s29;
	s0 =	sand.u32 $0x380, s0;
	v3 =	vsel vm7, v0, v1  }
0xe1: {  	s0 =	sor.u32 s0, s29;
	v4 =	vsel vm8, v0, v1;
	v3 =	vsel vm6, v2, v3  }
0xe2: {  	v5 =	vsel vm9, v0, v1;
	v4 =	vsel vm5, v2, v4;
	[tilespmem:s0+$0x1C60] =	vst v3  }
0xe3: {  	v58 =	vsel vm10, v0, v1;
	v57 =	vsel vm4, v2, v5;
	[tilespmem:s0+$0x1C40] =	vst v4  }
0xe4: {  	v61 =	vsel vm13, v0, v1;
	v5 =	vsel vm2, v2, v58;
	[tilespmem:s0+$0x1C50] =	vst v57  }
0xe5: {  	p1 =	sne.s32 s24, $0x63;
	v62 =	vsel vm0, v0, v1;
	v63 =	vsel vm14, v2, v61;
	[tilespmem:s0+$0x1C30] =	vst v5  }
.Ltmp6:
0xe6: {  	v59 =	vsel vm11, v0, v1;
	v60 =	vsel vm12, v0, v1;
	v0 =	vsel vm15, v2, v62;
	[tilespmem:s0+$0x1C00] =	vst v63;
	(pc) =	sbr.rel @p1 .LBB2_12-.Ltmp6, $4  }
0xe7: {  	s30 =	sshll.u32 s24, $0x12;
	v4 =	vsel vm1, v2, v59;
	[tilespmem:s0+$0x1C70] =	vst v0  }
0xe8: {  	s26 =	sor.u32 s7, s30;
	v3 =	vsel vm3, v2, v60;
	[tilespmem:s0+$0x1C20] =	vst v4  }
0xe9: {  	s31 =	sadd.s32 s2, s26;
	[tilespmem:s0+$0x1C10] =	vst v3  }
0xea: {  	[hbm4b:s31+s18] =	stream.strided.scatter [tilespmem:s18], [sflag:$0x3], $0x8000, s17, s18, $0x38;
	[tilespmem:$0x11000] =	vst v63  }
.Ltmp7:
0xeb: {  	(pc) =	sbr.rel .LBB2_13-.Ltmp7, $4  }
0xec: {  	_ = 	snop  }
0xed: {  	_ =	swait.ge [sflag:s19], $0x200  }
0xee: {  	[sflag:s19] =	ssyncset.done $0x0  }
0xef: {  	[sflag:s19] =	ssyncadd.s32 $0xFFFFFE00  }
.LBB2_12:
0xf0: {  	s0 =	sadd.s32 s9, s25  }
0xf1: {  	s0 =	sshrl.u32 s0, $0x3  }
.Ltmp8:
0xf2: {  	s0 =	sadd.s32 s4, s0;
	(pc) =	sbr.rel @p0 .LBB2_14-.Ltmp8, $4  }
0xf3: {  	[tilespmem:s14], [sflag:$0x1] =	stream.linear.gather [hbm4b:s0+s3], $0x200, $0x38;
	[tilespmem:$0x11000] =	vst v63  }
0xf4: {  	_ =	swait.ge [sflag:s19], $0x200  }
0xf5: {  	[sflag:s19] =	ssyncset.done $0x0  }
0xf6: {  	[sflag:s19] =	ssyncadd.s32 $0xFFFFFE00  }
.LBB2_13:
0xf7: {  	_ =	swait.ge [sflag:s20], $0x8000  }
0xf8: {  	[sflag:s20] =	ssyncset.done $0x0  }
0xf9: {  	[sflag:s20] =	ssyncadd.s32 $0xFFFF8000  }
.LBB2_14:
0xfa: {  	v0 =	vld [tilespmem:$0xE10]  }
0xfb: {  	v1 =	vld [tilespmem:$0xE20]  }
0xfc: {  	v2 =	vld [tilespmem:$0xE30]  }
0xfd: {  	v3 =	vld [tilespmem:$0xE40]  }
0xfe: {  	v5 =	vld [tilespmem:$0xE60]  }
0xff: {  	v4 =	vld [tilespmem:$0xE50];
	s0 =	simm.s32 $0x800  }
0x100: {  	v7 =	vld [tilespmem:s0+$0xFFFFFC00]  }
0x101: {  	v8 =	vld [tilespmem:s0+$0x0]  }
0x102: {  	v9 =	vld [tilespmem:s0+$0xFFFFF800]  }
0x103: {  	vm6 =	veq.s32 v5, $0x0  }
0x104: {  	vm4 =	veq.s32 v4, $0x0;
	vm5 =	veq.s32 v3, $0x0;
	vm2 =	veq.s32 v2, $0x0  }
0x105: {  	v6 =	vld [tilespmem:$0xE70];
	s28 =	simm.s32 $0x0;
	vm1 =	veq.s32 v1, $0x0;
	vm7 =	veq.s32 v5, $0x1;
	vm3 =	veq.s32 v0, $0x0  }
0x106: {  	v62 =	vld [tilespmem:$0xE00];
	s1 =	sand.u32 $0x7000, s28;
	s29 =	sand.u32 $0x380, s28;
	vm8 =	veq.s32 v3, $0x1;
	vm9 =	veq.s32 v4, $0x1;
	v3 =	vsel vm7, v7, v8  }
0x107: {  	s0 =	sor.u32 s29, s1;
	vm10 =	veq.s32 v2, $0x1;
	v63 =	vsel vm8, v7, v8;
	v3 =	vsel vm6, v9, v3  }
0x108: {  	vm11 =	veq.s32 v1, $0x1;
	v2 =	vsel vm9, v7, v8;
	v4 =	vsel vm5, v9, v63;
	[tilespmem:s0+$0x9060] =	vst v3  }
0x109: {  	vm12 =	veq.s32 v0, $0x1;
	v0 =	vsel vm11, v7, v8;
	v1 =	vsel vm4, v9, v2;
	[tilespmem:s0+$0x9040] =	vst v4  }
0x10a: {  	vm0 =	veq.s32 v6, $0x1;
	v2 =	vsel vm10, v7, v8;
	v0 =	vsel vm1, v9, v0;
	[tilespmem:s0+$0x9050] =	vst v1  }
0x10b: {  	vm13 =	veq.s32 v62, $0x1;
	v2 =	vsel vm2, v9, v2;
	v1 =	vsel vm12, v7, v8;
	[tilespmem:s0+$0x9020] =	vst v0  }
0x10c: {  	vm15 =	veq.s32 v6, $0x0;
	v0 =	vsel vm0, v7, v8;
	[tilespmem:s0+$0x9030] =	vst v2;
	v1 =	vsel vm3, v9, v1  }
0x10d: {  	vm14 =	veq.s32 v62, $0x0;
	v2 =	vsel vm13, v7, v8;
	v0 =	vsel vm15, v9, v0;
	[tilespmem:s0+$0x9010] =	vst v1  }
0x10e: {  	v2 =	vsel vm14, v9, v2;
	[tilespmem:s0+$0x9070] =	vst v0  }
0x10f: {  	s29 =	simm.s32 $0x810;
	[tilespmem:s0+$0x9000] =	vst v2  }
0x110: {  	v0 =	vld [tilespmem:s29+$0xFFFFFC00]  }
0x111: {  	s30 =	simm.s32 $0x200;
	s31 =	simm.s32 $0x400;
	v1 =	vld [tilespmem:s29+$0x0]  }
.LBB2_15:
0x112: {  	p0 =	sne.s32 s31, $0x7E00;
	v2 =	vld [tilespmem:s29+$0xFFFFF800];
	_ =	sdelay $0x2  }
0x113: {  	s28 =	sadd.s32 $0x80, s28  }
0x114: {  	s0 =	sand.u32 $0x7000, s30;
	s30 =	smov.u32 s31;
	s1 =	sand.u32 $0x380, s28;
	v3 =	vsel vm8, v0, v1;
	v4 =	vsel vm9, v0, v1;
	v5 =	vsel vm7, v0, v1  }
0x115: {  	s0 =	sor.u32 s1, s0;
	v3 =	vsel vm5, v2, v3;
	v4 =	vsel vm4, v2, v4;
	v5 =	vsel vm6, v2, v5  }
0x116: {  	v6 =	vsel vm12, v0, v1;
	v7 =	vsel vm11, v0, v1;
	v8 =	vsel vm10, v0, v1;
	[tilespmem:s0+$0x9060] =	vst v5  }
0x117: {  	v5 =	vsel vm3, v2, v6;
	v6 =	vsel vm1, v2, v7;
	v7 =	vsel vm2, v2, v8;
	[tilespmem:s0+$0x9040] =	vst v3  }
0x118: {  	v3 =	vsel vm13, v0, v1;
	v0 =	vsel vm0, v0, v1;
	[tilespmem:s0+$0x9050] =	vst v4  }
0x119: {  	v1 =	vsel vm14, v2, v3;
	v0 =	vsel vm15, v2, v0;
	[tilespmem:s0+$0x9030] =	vst v7  }
0x11a: {  	[tilespmem:s0+$0x9020] =	vst v6  }
.Ltmp9:
0x11b: {  	[tilespmem:s0+$0x9010] =	vst v5;
	(pc) =	sbr.rel @p0 .LBB2_15-.Ltmp9, $4  }
0x11c: {  	[tilespmem:s0+$0x9000] =	vst v1  }
0x11d: {  	s29 =	sadd.s32 $0x10, s29;
	[tilespmem:s0+$0x9070] =	vst v0  }
0x11e: {  	v0 =	vld [tilespmem:s29+$0xFFFFFC00]  }
0x11f: {  	s31 =	sadd.s32 $0x200, s31;
	v1 =	vld [tilespmem:s29+$0x0]  }
0x120: {  	v2 =	vld [tilespmem:s29+$0xFFFFF800];
	_ =	sdelay $0x2  }
0x121: {  	s0 =	sadd.s32 $0x80, s28  }
0x122: {  	s1 =	sand.u32 $0x7000, s30;
	s0 =	sand.u32 $0x380, s0;
	v3 =	vsel vm7, v0, v1  }
0x123: {  	s0 =	sor.u32 s0, s1;
	v4 =	vsel vm8, v0, v1;
	v3 =	vsel vm6, v2, v3  }
0x124: {  	v5 =	vsel vm9, v0, v1;
	v4 =	vsel vm5, v2, v4;
	[tilespmem:s0+$0x9060] =	vst v3  }
0x125: {  	v58 =	vsel vm10, v0, v1;
	v3 =	vsel vm4, v2, v5;
	[tilespmem:s0+$0x9040] =	vst v4  }
0x126: {  	v59 =	vsel vm11, v0, v1;
	v5 =	vsel vm2, v2, v58;
	[tilespmem:s0+$0x9050] =	vst v3  }
0x127: {  	v60 =	vsel vm13, v0, v1;
	v4 =	vsel vm1, v2, v59;
	[tilespmem:s0+$0x9030] =	vst v5  }
0x128: {  	v3 =	vsel vm12, v0, v1;
	[tilespmem:s0+$0x9020] =	vst v4;
	v0 =	vsel vm0, v0, v1;
	v1 =	vsel vm14, v2, v60  }
0x129: {  	v3 =	vsel vm3, v2, v3;
	[tilespmem:s0+$0x9000] =	vst v1  }
0x12a: {  	v0 =	vsel vm15, v2, v0;
	[tilespmem:s0+$0x9010] =	vst v3  }
0x12b: {  	[tilespmem:s0+$0x9070] =	vst v0  }
0x12c: {  	v0 =	vld [tilespmem:$0xE90]  }
0x12d: {  	v1 =	vld [tilespmem:$0xEA0]  }
0x12e: {  	v2 =	vld [tilespmem:$0xEB0]  }
0x12f: {  	v3 =	vld [tilespmem:$0xEC0]  }
0x130: {  	v61 =	vld [tilespmem:$0xEE0]  }
0x131: {  	s1 =	simm.s32 $0x800;
	v4 =	vld [tilespmem:$0xED0]  }
0x132: {  	v7 =	vld [tilespmem:s1+$0xFFFFFC00]  }
0x133: {  	v8 =	vld [tilespmem:s1+$0x0]  }
0x134: {  	v9 =	vld [tilespmem:s1+$0xFFFFF800]  }
0x135: {  	vm6 =	veq.s32 v61, $0x0  }
0x136: {  	vm4 =	veq.s32 v4, $0x0;
	vm5 =	veq.s32 v3, $0x0;
	vm2 =	veq.s32 v2, $0x0  }
0x137: {  	s28 =	simm.s32 $0x0;
	v6 =	vld [tilespmem:$0xEF0];
	vm1 =	veq.s32 v1, $0x0;
	vm7 =	veq.s32 v61, $0x1;
	vm3 =	veq.s32 v0, $0x0  }
0x138: {  	s0 =	sand.u32 $0x7000, s28;
	v62 =	vld [tilespmem:$0xE80];
	s1 =	sand.u32 $0x380, s28;
	vm8 =	veq.s32 v3, $0x1;
	vm9 =	veq.s32 v4, $0x1;
	v3 =	vsel vm7, v7, v8  }
0x139: {  	s0 =	sor.u32 s1, s0;
	vm10 =	veq.s32 v2, $0x1;
	v63 =	vsel vm8, v7, v8;
	v3 =	vsel vm6, v9, v3  }
0x13a: {  	vm11 =	veq.s32 v1, $0x1;
	v2 =	vsel vm9, v7, v8;
	v4 =	vsel vm5, v9, v63;
	[tilespmem:s0+$0x9460] =	vst v3  }
0x13b: {  	vm12 =	veq.s32 v0, $0x1;
	v0 =	vsel vm11, v7, v8;
	v1 =	vsel vm4, v9, v2;
	[tilespmem:s0+$0x9440] =	vst v4  }
0x13c: {  	vm0 =	veq.s32 v6, $0x1;
	v2 =	vsel vm10, v7, v8;
	v0 =	vsel vm1, v9, v0;
	[tilespmem:s0+$0x9450] =	vst v1  }
0x13d: {  	vm13 =	veq.s32 v62, $0x1;
	v2 =	vsel vm2, v9, v2;
	v1 =	vsel vm12, v7, v8;
	[tilespmem:s0+$0x9420] =	vst v0  }
0x13e: {  	vm15 =	veq.s32 v6, $0x0;
	v0 =	vsel vm0, v7, v8;
	[tilespmem:s0+$0x9430] =	vst v2;
	v1 =	vsel vm3, v9, v1  }
0x13f: {  	vm14 =	veq.s32 v62, $0x0;
	v2 =	vsel vm13, v7, v8;
	v0 =	vsel vm15, v9, v0;
	[tilespmem:s0+$0x9410] =	vst v1  }
0x140: {  	v2 =	vsel vm14, v9, v2;
	[tilespmem:s0+$0x9470] =	vst v0  }
0x141: {  	s29 =	simm.s32 $0x810;
	[tilespmem:s0+$0x9400] =	vst v2  }
0x142: {  	v0 =	vld [tilespmem:s29+$0xFFFFFC00]  }
0x143: {  	s30 =	simm.s32 $0x200;
	s31 =	simm.s32 $0x400;
	v1 =	vld [tilespmem:s29+$0x0]  }
.LBB2_17:
0x144: {  	p0 =	sne.s32 s31, $0x7E00;
	v2 =	vld [tilespmem:s29+$0xFFFFF800];
	_ =	sdelay $0x2  }
0x145: {  	s28 =	sadd.s32 $0x80, s28  }
0x146: {  	s0 =	sand.u32 $0x7000, s30;
	s30 =	smov.u32 s31;
	s1 =	sand.u32 $0x380, s28;
	v3 =	vsel vm8, v0, v1;
	v4 =	vsel vm9, v0, v1;
	v5 =	vsel vm7, v0, v1  }
0x147: {  	s0 =	sor.u32 s1, s0;
	v3 =	vsel vm5, v2, v3;
	v4 =	vsel vm4, v2, v4;
	v5 =	vsel vm6, v2, v5  }
0x148: {  	v6 =	vsel vm12, v0, v1;
	v7 =	vsel vm11, v0, v1;
	v8 =	vsel vm10, v0, v1;
	[tilespmem:s0+$0x9460] =	vst v5  }
0x149: {  	v5 =	vsel vm3, v2, v6;
	v6 =	vsel vm1, v2, v7;
	v7 =	vsel vm2, v2, v8;
	[tilespmem:s0+$0x9440] =	vst v3  }
0x14a: {  	v3 =	vsel vm13, v0, v1;
	v0 =	vsel vm0, v0, v1;
	[tilespmem:s0+$0x9450] =	vst v4  }
0x14b: {  	v1 =	vsel vm14, v2, v3;
	v0 =	vsel vm15, v2, v0;
	[tilespmem:s0+$0x9430] =	vst v7  }
0x14c: {  	[tilespmem:s0+$0x9420] =	vst v6  }
.Ltmp10:
0x14d: {  	[tilespmem:s0+$0x9410] =	vst v5;
	(pc) =	sbr.rel @p0 .LBB2_17-.Ltmp10, $4  }
0x14e: {  	[tilespmem:s0+$0x9400] =	vst v1  }
0x14f: {  	s29 =	sadd.s32 $0x10, s29;
	[tilespmem:s0+$0x9470] =	vst v0  }
0x150: {  	v0 =	vld [tilespmem:s29+$0xFFFFFC00]  }
0x151: {  	s31 =	sadd.s32 $0x200, s31;
	v1 =	vld [tilespmem:s29+$0x0]  }
0x152: {  	v2 =	vld [tilespmem:s29+$0xFFFFF800];
	_ =	sdelay $0x2  }
0x153: {  	s0 =	sadd.s32 $0x80, s28  }
0x154: {  	s1 =	sand.u32 $0x7000, s30;
	s0 =	sand.u32 $0x380, s0;
	v3 =	vsel vm7, v0, v1  }
0x155: {  	s0 =	sor.u32 s0, s1;
	v4 =	vsel vm8, v0, v1;
	v3 =	vsel vm6, v2, v3  }
0x156: {  	v5 =	vsel vm9, v0, v1;
	v4 =	vsel vm5, v2, v4;
	[tilespmem:s0+$0x9460] =	vst v3  }
0x157: {  	v58 =	vsel vm10, v0, v1;
	v3 =	vsel vm4, v2, v5;
	[tilespmem:s0+$0x9440] =	vst v4  }
0x158: {  	v59 =	vsel vm11, v0, v1;
	v5 =	vsel vm2, v2, v58;
	[tilespmem:s0+$0x9450] =	vst v3  }
0x159: {  	v60 =	vsel vm13, v0, v1;
	v4 =	vsel vm1, v2, v59;
	[tilespmem:s0+$0x9430] =	vst v5  }
0x15a: {  	v3 =	vsel vm12, v0, v1;
	[tilespmem:s0+$0x9420] =	vst v4;
	v0 =	vsel vm0, v0, v1;
	v1 =	vsel vm14, v2, v60  }
0x15b: {  	v3 =	vsel vm3, v2, v3;
	[tilespmem:s0+$0x9400] =	vst v1  }
0x15c: {  	v0 =	vsel vm15, v2, v0;
	[tilespmem:s0+$0x9410] =	vst v3  }
0x15d: {  	[tilespmem:s0+$0x9470] =	vst v0  }
0x15e: {  	v0 =	vld [tilespmem:$0xF10]  }
0x15f: {  	v1 =	vld [tilespmem:$0xF20]  }
0x160: {  	v2 =	vld [tilespmem:$0xF30]  }
0x161: {  	v3 =	vld [tilespmem:$0xF40]  }
0x162: {  	v61 =	vld [tilespmem:$0xF60]  }
0x163: {  	s1 =	simm.s32 $0x800;
	v4 =	vld [tilespmem:$0xF50]  }
0x164: {  	v7 =	vld [tilespmem:s1+$0xFFFFFC00]  }
0x165: {  	v8 =	vld [tilespmem:s1+$0x0]  }
0x166: {  	v9 =	vld [tilespmem:s1+$0xFFFFF800]  }
0x167: {  	vm6 =	veq.s32 v61, $0x0  }
0x168: {  	vm4 =	veq.s32 v4, $0x0;
	vm5 =	veq.s32 v3, $0x0;
	vm2 =	veq.s32 v2, $0x0  }
0x169: {  	s28 =	simm.s32 $0x0;
	v6 =	vld [tilespmem:$0xF70];
	vm1 =	veq.s32 v1, $0x0;
	vm7 =	veq.s32 v61, $0x1;
	vm3 =	veq.s32 v0, $0x0  }
0x16a: {  	s0 =	sand.u32 $0x7000, s28;
	v62 =	vld [tilespmem:$0xF00];
	s1 =	sand.u32 $0x380, s28;
	vm8 =	veq.s32 v3, $0x1;
	vm9 =	veq.s32 v4, $0x1;
	v3 =	vsel vm7, v7, v8  }
0x16b: {  	s0 =	sor.u32 s1, s0;
	vm10 =	veq.s32 v2, $0x1;
	v63 =	vsel vm8, v7, v8;
	v3 =	vsel vm6, v9, v3  }
0x16c: {  	vm11 =	veq.s32 v1, $0x1;
	v2 =	vsel vm9, v7, v8;
	v4 =	vsel vm5, v9, v63;
	[tilespmem:s0+$0x9860] =	vst v3  }
0x16d: {  	vm12 =	veq.s32 v0, $0x1;
	v0 =	vsel vm11, v7, v8;
	v1 =	vsel vm4, v9, v2;
	[tilespmem:s0+$0x9840] =	vst v4  }
0x16e: {  	vm0 =	veq.s32 v6, $0x1;
	v2 =	vsel vm10, v7, v8;
	v0 =	vsel vm1, v9, v0;
	[tilespmem:s0+$0x9850] =	vst v1  }
0x16f: {  	vm13 =	veq.s32 v62, $0x1;
	v2 =	vsel vm2, v9, v2;
	v1 =	vsel vm12, v7, v8;
	[tilespmem:s0+$0x9820] =	vst v0  }
0x170: {  	vm15 =	veq.s32 v6, $0x0;
	v0 =	vsel vm0, v7, v8;
	[tilespmem:s0+$0x9830] =	vst v2;
	v1 =	vsel vm3, v9, v1  }
0x171: {  	vm14 =	veq.s32 v62, $0x0;
	v2 =	vsel vm13, v7, v8;
	v0 =	vsel vm15, v9, v0;
	[tilespmem:s0+$0x9810] =	vst v1  }
0x172: {  	v2 =	vsel vm14, v9, v2;
	[tilespmem:s0+$0x9870] =	vst v0  }
0x173: {  	s29 =	simm.s32 $0x810;
	[tilespmem:s0+$0x9800] =	vst v2  }
0x174: {  	v0 =	vld [tilespmem:s29+$0xFFFFFC00]  }
0x175: {  	s30 =	simm.s32 $0x200;
	s31 =	simm.s32 $0x400;
	v1 =	vld [tilespmem:s29+$0x0]  }
.LBB2_19:
0x176: {  	p0 =	sne.s32 s31, $0x7E00;
	v2 =	vld [tilespmem:s29+$0xFFFFF800];
	_ =	sdelay $0x2  }
0x177: {  	s28 =	sadd.s32 $0x80, s28  }
0x178: {  	s0 =	sand.u32 $0x7000, s30;
	s30 =	smov.u32 s31;
	s1 =	sand.u32 $0x380, s28;
	v3 =	vsel vm8, v0, v1;
	v4 =	vsel vm9, v0, v1;
	v5 =	vsel vm7, v0, v1  }
0x179: {  	s0 =	sor.u32 s1, s0;
	v3 =	vsel vm5, v2, v3;
	v4 =	vsel vm4, v2, v4;
	v5 =	vsel vm6, v2, v5  }
0x17a: {  	v6 =	vsel vm12, v0, v1;
	v7 =	vsel vm11, v0, v1;
	v8 =	vsel vm10, v0, v1;
	[tilespmem:s0+$0x9860] =	vst v5  }
0x17b: {  	v5 =	vsel vm3, v2, v6;
	v6 =	vsel vm1, v2, v7;
	v7 =	vsel vm2, v2, v8;
	[tilespmem:s0+$0x9840] =	vst v3  }
0x17c: {  	v3 =	vsel vm13, v0, v1;
	v0 =	vsel vm0, v0, v1;
	[tilespmem:s0+$0x9850] =	vst v4  }
0x17d: {  	v1 =	vsel vm14, v2, v3;
	v0 =	vsel vm15, v2, v0;
	[tilespmem:s0+$0x9830] =	vst v7  }
0x17e: {  	[tilespmem:s0+$0x9820] =	vst v6  }
.Ltmp11:
0x17f: {  	[tilespmem:s0+$0x9810] =	vst v5;
	(pc) =	sbr.rel @p0 .LBB2_19-.Ltmp11, $4  }
0x180: {  	[tilespmem:s0+$0x9800] =	vst v1  }
0x181: {  	s29 =	sadd.s32 $0x10, s29;
	[tilespmem:s0+$0x9870] =	vst v0  }
0x182: {  	v0 =	vld [tilespmem:s29+$0xFFFFFC00]  }
0x183: {  	s31 =	sadd.s32 $0x200, s31;
	v1 =	vld [tilespmem:s29+$0x0]  }
0x184: {  	v2 =	vld [tilespmem:s29+$0xFFFFF800];
	_ =	sdelay $0x2  }
0x185: {  	s0 =	sadd.s32 $0x80, s28  }
0x186: {  	s1 =	sand.u32 $0x7000, s30;
	s0 =	sand.u32 $0x380, s0;
	v3 =	vsel vm7, v0, v1  }
0x187: {  	s0 =	sor.u32 s0, s1;
	v4 =	vsel vm8, v0, v1;
	v3 =	vsel vm6, v2, v3  }
0x188: {  	v5 =	vsel vm9, v0, v1;
	v4 =	vsel vm5, v2, v4;
	[tilespmem:s0+$0x9860] =	vst v3  }
0x189: {  	v58 =	vsel vm10, v0, v1;
	v3 =	vsel vm4, v2, v5;
	[tilespmem:s0+$0x9840] =	vst v4  }
0x18a: {  	v59 =	vsel vm11, v0, v1;
	v5 =	vsel vm2, v2, v58;
	[tilespmem:s0+$0x9850] =	vst v3  }
0x18b: {  	v60 =	vsel vm13, v0, v1;
	v4 =	vsel vm1, v2, v59;
	[tilespmem:s0+$0x9830] =	vst v5  }
0x18c: {  	v3 =	vsel vm12, v0, v1;
	[tilespmem:s0+$0x9820] =	vst v4;
	v0 =	vsel vm0, v0, v1;
	v1 =	vsel vm14, v2, v60  }
0x18d: {  	v3 =	vsel vm3, v2, v3;
	[tilespmem:s0+$0x9800] =	vst v1  }
0x18e: {  	v0 =	vsel vm15, v2, v0;
	[tilespmem:s0+$0x9810] =	vst v3  }
0x18f: {  	[tilespmem:s0+$0x9870] =	vst v0  }
0x190: {  	v0 =	vld [tilespmem:$0xF90]  }
0x191: {  	v1 =	vld [tilespmem:$0xFA0]  }
0x192: {  	v2 =	vld [tilespmem:$0xFB0]  }
0x193: {  	v3 =	vld [tilespmem:$0xFC0]  }
0x194: {  	v61 =	vld [tilespmem:$0xFE0]  }
0x195: {  	s1 =	simm.s32 $0x800;
	v4 =	vld [tilespmem:$0xFD0]  }
0x196: {  	v7 =	vld [tilespmem:s1+$0xFFFFFC00]  }
0x197: {  	v8 =	vld [tilespmem:s1+$0x0]  }
0x198: {  	v9 =	vld [tilespmem:s1+$0xFFFFF800]  }
0x199: {  	vm6 =	veq.s32 v61, $0x0  }
0x19a: {  	vm4 =	veq.s32 v4, $0x0;
	vm5 =	veq.s32 v3, $0x0;
	vm2 =	veq.s32 v2, $0x0  }
0x19b: {  	s28 =	simm.s32 $0x0;
	v6 =	vld [tilespmem:$0xFF0];
	vm1 =	veq.s32 v1, $0x0;
	vm7 =	veq.s32 v61, $0x1;
	vm3 =	veq.s32 v0, $0x0  }
0x19c: {  	s0 =	sand.u32 $0x7000, s28;
	v62 =	vld [tilespmem:$0xF80];
	s1 =	sand.u32 $0x380, s28;
	vm8 =	veq.s32 v3, $0x1;
	vm9 =	veq.s32 v4, $0x1;
	v3 =	vsel vm7, v7, v8  }
0x19d: {  	s0 =	sor.u32 s1, s0;
	vm10 =	veq.s32 v2, $0x1;
	v63 =	vsel vm8, v7, v8;
	v3 =	vsel vm6, v9, v3  }
0x19e: {  	vm11 =	veq.s32 v1, $0x1;
	v2 =	vsel vm9, v7, v8;
	v4 =	vsel vm5, v9, v63;
	[tilespmem:s0+$0x9C60] =	vst v3  }
0x19f: {  	vm12 =	veq.s32 v0, $0x1;
	v0 =	vsel vm11, v7, v8;
	v1 =	vsel vm4, v9, v2;
	[tilespmem:s0+$0x9C40] =	vst v4  }
0x1a0: {  	vm0 =	veq.s32 v6, $0x1;
	v2 =	vsel vm10, v7, v8;
	v0 =	vsel vm1, v9, v0;
	[tilespmem:s0+$0x9C50] =	vst v1  }
0x1a1: {  	vm13 =	veq.s32 v62, $0x1;
	v2 =	vsel vm2, v9, v2;
	v1 =	vsel vm12, v7, v8;
	[tilespmem:s0+$0x9C20] =	vst v0  }
0x1a2: {  	vm15 =	veq.s32 v6, $0x0;
	v0 =	vsel vm0, v7, v8;
	[tilespmem:s0+$0x9C30] =	vst v2;
	v1 =	vsel vm3, v9, v1  }
0x1a3: {  	vm14 =	veq.s32 v62, $0x0;
	v2 =	vsel vm13, v7, v8;
	v0 =	vsel vm15, v9, v0;
	[tilespmem:s0+$0x9C10] =	vst v1  }
0x1a4: {  	v2 =	vsel vm14, v9, v2;
	[tilespmem:s0+$0x9C70] =	vst v0  }
0x1a5: {  	s29 =	simm.s32 $0x810;
	[tilespmem:s0+$0x9C00] =	vst v2  }
0x1a6: {  	v0 =	vld [tilespmem:s29+$0xFFFFFC00]  }
0x1a7: {  	s30 =	simm.s32 $0x200;
	s31 =	simm.s32 $0x400;
	v1 =	vld [tilespmem:s29+$0x0]  }
.LBB2_21:
0x1a8: {  	p0 =	sne.s32 s31, $0x7E00;
	v2 =	vld [tilespmem:s29+$0xFFFFF800];
	_ =	sdelay $0x2  }
0x1a9: {  	s28 =	sadd.s32 $0x80, s28  }
0x1aa: {  	s0 =	sand.u32 $0x7000, s30;
	s30 =	smov.u32 s31;
	s1 =	sand.u32 $0x380, s28;
	v3 =	vsel vm8, v0, v1;
	v4 =	vsel vm9, v0, v1;
	v5 =	vsel vm7, v0, v1  }
0x1ab: {  	s0 =	sor.u32 s1, s0;
	v3 =	vsel vm5, v2, v3;
	v4 =	vsel vm4, v2, v4;
	v5 =	vsel vm6, v2, v5  }
0x1ac: {  	v6 =	vsel vm12, v0, v1;
	v7 =	vsel vm11, v0, v1;
	v8 =	vsel vm10, v0, v1;
	[tilespmem:s0+$0x9C60] =	vst v5  }
0x1ad: {  	v5 =	vsel vm3, v2, v6;
	v6 =	vsel vm1, v2, v7;
	v7 =	vsel vm2, v2, v8;
	[tilespmem:s0+$0x9C40] =	vst v3  }
0x1ae: {  	v3 =	vsel vm13, v0, v1;
	v0 =	vsel vm0, v0, v1;
	[tilespmem:s0+$0x9C50] =	vst v4  }
0x1af: {  	v1 =	vsel vm14, v2, v3;
	v0 =	vsel vm15, v2, v0;
	[tilespmem:s0+$0x9C30] =	vst v7  }
0x1b0: {  	[tilespmem:s0+$0x9C20] =	vst v6  }
.Ltmp12:
0x1b1: {  	[tilespmem:s0+$0x9C10] =	vst v5;
	(pc) =	sbr.rel @p0 .LBB2_21-.Ltmp12, $4  }
0x1b2: {  	[tilespmem:s0+$0x9C00] =	vst v1  }
0x1b3: {  	s29 =	sadd.s32 $0x10, s29;
	[tilespmem:s0+$0x9C70] =	vst v0  }
0x1b4: {  	v0 =	vld [tilespmem:s29+$0xFFFFFC00]  }
0x1b5: {  	s31 =	sadd.s32 $0x200, s31;
	v1 =	vld [tilespmem:s29+$0x0]  }
0x1b6: {  	v2 =	vld [tilespmem:s29+$0xFFFFF800];
	_ =	sdelay $0x2  }
0x1b7: {  	s0 =	sadd.s32 $0x80, s28  }
0x1b8: {  	s1 =	sand.u32 $0x7000, s30;
	s0 =	sand.u32 $0x380, s0;
	v3 =	vsel vm7, v0, v1  }
0x1b9: {  	s0 =	sor.u32 s0, s1;
	v4 =	vsel vm8, v0, v1;
	v3 =	vsel vm6, v2, v3  }
0x1ba: {  	v5 =	vsel vm9, v0, v1;
	v4 =	vsel vm5, v2, v4;
	[tilespmem:s0+$0x9C60] =	vst v3  }
0x1bb: {  	v58 =	vsel vm10, v0, v1;
	v57 =	vsel vm4, v2, v5;
	[tilespmem:s0+$0x9C40] =	vst v4  }
0x1bc: {  	v61 =	vsel vm13, v0, v1;
	v5 =	vsel vm2, v2, v58;
	[tilespmem:s0+$0x9C50] =	vst v57  }
0x1bd: {  	p0 =	seq.s32 s24, $0x63;
	v62 =	vsel vm0, v0, v1;
	v63 =	vsel vm14, v2, v61;
	[tilespmem:s0+$0x9C30] =	vst v5  }
.Ltmp13:
0x1be: {  	v59 =	vsel vm11, v0, v1;
	v60 =	vsel vm12, v0, v1;
	v0 =	vsel vm15, v2, v62;
	[tilespmem:s0+$0x9C00] =	vst v63;
	(pc) =	sbr.rel @p0 .LBB2_24-.Ltmp13, $4  }
0x1bf: {  	v4 =	vsel vm1, v2, v59;
	[tilespmem:s0+$0x9C70] =	vst v0  }
0x1c0: {  	v3 =	vsel vm3, v2, v60;
	[tilespmem:s0+$0x9C20] =	vst v4  }
0x1c1: {  	s31 =	sadd.s32 s26, s11;
	[tilespmem:s0+$0x9C10] =	vst v3  }
0x1c2: {  	[hbm4b:s31+s18] =	stream.strided.scatter [tilespmem:s21], [sflag:$0x4], $0x8000, s17, s18, $0x38;
	[tilespmem:$0x11000] =	vst v63  }
.Ltmp14:
0x1c3: {  	(pc) =	sbr.rel .LBB2_2-.Ltmp14, $4  }
0x1c4: {  	s0 =	sadd.s32 s10, s25  }
0x1c5: {  	s0 =	sshrl.u32 s0, $0x3  }
0x1c6: {  	s24 =	sadd.s32 $0x1, s24;
	s0 =	sadd.s32 s4, s0  }
0x1c7: {  	[tilespmem:s15], [sflag:$0x2] =	stream.linear.gather [hbm4b:s0+s3], $0x200, $0x38;
	[tilespmem:$0x11000] =	vst v63  }
.LBB2_25:
0x1c8: {  	_ =	sfence.sel $0x180000  }
0x1c9: {  	[bflag:$0x0] =	sbarrier.arrive $0xFFFF  }
0x1ca: {  	_ =	strace $0x90000047  }
0x1cb: {  	s0 =	stileid.u32;
	[bflag:$0x2] =	sbarrier.arrive $0xFFFF  }
0x1cc: {  	p0 =	sne.s32 s0, $0x0;
	s0 =	rddreg [dreg:$0x2]  }
0x1cd: {  	s0 =	sadd.s32 @!p0 $0x100000, s0  }
0x1ce: {  	[sflag:s0] =	ssyncadd.tile.s32 @!p0 $0x1;
	_ =	shalt  }
.Lfunc_end2:
_tile_overlayer_lowered:
.L_overlay_start_2:
0x1cf: {  	(tag) =	ssettag $0x2  }
0x1d0: {  	s0 =	rddreg [dreg:$0x0];
	s2 =	stileid.u32  }
0x1d1: {  	s1 =	rddreg [dreg:$0x1];
	p0 =	sne.s32 s2, $0x0  }
0x1d2: {  	s3 =	rddreg [dreg:$0x2];
	[bflag:$0x3] =	sbarrier.arrive $0xFFFF;
	s2 =	simm.s32 @!p0 $0x1C05  }
0x1d3: {  	[timem:s3], [sflag:s2] =	dma.local @!p0 [hbm:s0], s1  }
0x1d4: {  	s0 =	simm.s32 @!p0 $0x5  }
0x1d5: {  	_ =	swait.ge @!p0 [sflag:s0], s1  }
0x1d6: {  	s1 =	ssub.s32 @!p0 $0x0, s1;
	[sflag:s0] =	ssyncset.done @!p0 $0x0  }
0x1d7: {  	[sflag:s0] =	ssyncadd.s32 @!p0 s1  }
0x1d8: {  	[bflag:$0x3] =	sbarrier.arrive $0xFFFF  }
0x1d9: {  	_ =	shalt  }

</sc_bundles>
